<compile_context>
chip_gen: v7x
topology: tpu7x:2x2x1
jax: 0.10.2.dev20260603
libtpu: 0.0.44.dev20260713+nightly
codegen_flags: <defaults>
</compile_context>

<pallas_src>
import functools

import jax
import jax.numpy as jnp
import numpy as np
from jax import lax
from jax.experimental import pallas as pl
from jax.experimental.pallas import tpu as pltpu
from jax.experimental.pallas import tpu_sc as plsc

_B = 1024
_T = 200
_P = 196
_NO = 26
_D = 128
_NUM_REMAIN = _NO // 2
_GB = 32

_NW = 32
_SW = _B // _NW
_EW = _SW * _NUM_REMAIN
_CH = 104
_NCH = _EW // _CH


def _threefry2x32(k1, k2, x1, x2):
    ks = [np.uint32(k1), np.uint32(k2),
          np.uint32(k1) ^ np.uint32(k2) ^ np.uint32(0x1BD11BDA)]
    rotations = [(13, 15, 26, 6), (17, 29, 16, 24)]
    x = [x1 + ks[0], x2 + ks[1]]
    for i in range(5):
        for r in rotations[i % 2]:
            x[0] = x[0] + x[1]
            x[1] = (x[1] << np.uint32(r)) | (x[1] >> np.uint32(32 - r))
            x[1] = x[1] ^ x[0]
        x[0] = x[0] + ks[(i + 1) % 3]
        x[1] = x[1] + ks[(i + 2) % 3] + np.uint32(i + 1)
    return x


def _uniform_f32(seed, shape):
    size = int(np.prod(shape))
    k1 = np.uint32(np.uint64(seed) >> np.uint64(32))
    k2 = np.uint32(np.uint64(seed) & np.uint64(0xFFFFFFFF))
    hi = np.zeros(size, dtype=np.uint32)
    lo = np.arange(size, dtype=np.uint32)
    with np.errstate(over="ignore"):
        r = _threefry2x32(k1, k2, hi, lo)
    bits = r[0] ^ r[1]
    fb = (bits >> np.uint32(9)) | np.uint32(0x3F800000)
    return (fb.view(np.float32) - np.float32(1.0)).reshape(shape)


@functools.lru_cache(maxsize=1)
def _index_constants():
    noise = _uniform_f32(42, (_B, _NO))
    shuffle = np.argsort(noise, axis=-1, kind="stable").astype(np.int32)
    remain = shuffle[:, :_NUM_REMAIN]
    masked = shuffle[:, _NUM_REMAIN:]
    revert = np.argsort(shuffle, axis=-1, kind="stable").astype(np.int32)
    return remain, masked, revert


@functools.lru_cache(maxsize=1)
def _sc_gather_constants():
    remain, _, _ = _index_constants()
    b = np.repeat(np.arange(_B, dtype=np.int32), _NUM_REMAIN)
    j = np.tile(np.arange(_NUM_REMAIN, dtype=np.int32), _B)
    r = remain.reshape(-1)
    src_o = (r * _B + b).reshape(_NW * _NCH, _CH)
    src_pe = (3 + r).reshape(_NW * _NCH, _CH)
    dst_o = ((1 + j) * _B + b).reshape(_NW * _NCH, _CH)
    return src_o, src_pe, dst_o


def _tc_b_body(t_ref, i_ref, pe_ref, to_ref, io_ref):
    to_ref[...] = t_ref[...] + pe_ref[1:2, :]
    io_ref[...] = i_ref[...] + pe_ref[2:3, :]


def _sc_body(o_ref, pe_ref, gt_ref, src_o_ref, src_pe_ref, dst_o_ref,
             out_ref,
             idx_o, idx_pe, idx_d, rows, perows, gtbuf, gtrow, pe0row,
             gsem, ssem):
    w = lax.axis_index("s") * 2 + lax.axis_index("c")
    gathers = []
    for c in range(_NCH):
        pltpu.sync_copy(src_o_ref.at[w * _NCH + c], idx_o.at[c])
        pltpu.sync_copy(src_pe_ref.at[w * _NCH + c], idx_pe.at[c])
        gathers.append(pltpu.async_copy(
            o_ref.at[idx_o.at[c]], rows.at[c], gsem))
        gathers.append(pltpu.async_copy(
            pe_ref.at[idx_pe.at[c]], perows.at[c], gsem))
    pltpu.sync_copy(gt_ref, gtrow)
    pltpu.sync_copy(pe_ref.at[pl.ds(0, 1)], pe0row)

    def fill_gt(i, _):
        for v in range(8):
            gtbuf[i, pl.ds(v * 16, 16)] = (
                gtrow[0, pl.ds(v * 16, 16)] + pe0row[0, pl.ds(v * 16, 16)])
        return 0

    lax.fori_loop(0, _SW, fill_gt, 0)
    scatters = [pltpu.async_copy(gtbuf, out_ref.at[pl.ds(w * _SW, _SW)], ssem)]
    for g in gathers:
        g.wait()
    for c in range(_NCH):
        def add_pe(k, _, c=c):
            for v in range(8):
                rows[c, k, pl.ds(v * 16, 16)] = (
                    rows[c, k, pl.ds(v * 16, 16)]
                    + perows[c, k, pl.ds(v * 16, 16)])
            return 0

        lax.fori_loop(0, _CH, add_pe, 0)
        pltpu.sync_copy(dst_o_ref.at[w * _NCH + c], idx_d.at[c])
        scatters.append(pltpu.async_copy(
            rows.at[c], out_ref.at[idx_d.at[c]], ssem))
    for s in scatters:
        s.wait()


@jax.jit
def kernel(temporal_x, img_x, others_x, pos_emb, global_token):
    remain, masked, revert = _index_constants()
    src_o, src_pe, dst_o = _sc_gather_constants()

    o2 = others_x.transpose(1, 0, 2).reshape(_NO * _B, _D)
    i2 = img_x.transpose(1, 0, 2).reshape(_P * _B, _D)
    t2 = temporal_x.reshape(_B * _T, _D)

    mesh = plsc.VectorSubcoreMesh(core_axis_name="c", subcore_axis_name="s")
    or_flat = pl.kernel(
        _sc_body,
        out_type=jax.ShapeDtypeStruct(((1 + _NUM_REMAIN) * _B, _D),
                                      jnp.float32),
        mesh=mesh,
        scratch_types=[
            pltpu.VMEM((_NCH, _CH), jnp.int32),
            pltpu.VMEM((_NCH, _CH), jnp.int32),
            pltpu.VMEM((_NCH, _CH), jnp.int32),
            pltpu.VMEM((_NCH, _CH, _D), jnp.float32),
            pltpu.VMEM((_NCH, _CH, _D), jnp.float32),
            pltpu.VMEM((_SW, _D), jnp.float32),
            pltpu.VMEM((1, _D), jnp.float32),
            pltpu.VMEM((1, _D), jnp.float32),
            pltpu.SemaphoreType.DMA,
            pltpu.SemaphoreType.DMA,
        ],
    )(
        o2,
        pos_emb,
        global_token,
        jnp.asarray(src_o),
        jnp.asarray(src_pe),
        jnp.asarray(dst_o),
    )
    or_out = or_flat.reshape(1 + _NUM_REMAIN, _B, _D).transpose(1, 0, 2)

    t_out2, i_out2 = pl.pallas_call(
        _tc_b_body,
        grid=(_GB,),
        in_specs=[
            pl.BlockSpec((_B * _T // _GB, _D), lambda i: (i, 0)),
            pl.BlockSpec((_P * _B // _GB, _D), lambda i: (i, 0)),
            pl.BlockSpec((pos_emb.shape[0], _D), lambda i: (0, 0)),
        ],
        out_specs=[
            pl.BlockSpec((_B * _T // _GB, _D), lambda i: (i, 0)),
            pl.BlockSpec((_P * _B // _GB, _D), lambda i: (i, 0)),
        ],
        out_shape=[
            jax.ShapeDtypeStruct((_B * _T, _D), jnp.float32),
            jax.ShapeDtypeStruct((_P * _B, _D), jnp.float32),
        ],
    )(t2, i2, pos_emb)
    t_out = t_out2.reshape(_B, _T, _D)
    i_out = i_out2.reshape(_P, _B, _D).transpose(1, 0, 2)

    return (t_out, i_out, or_out,
            jnp.asarray(remain), jnp.asarray(masked), jnp.asarray(revert))

# --- scband reference (transcript-rebuilt; emitter-appended) ---
"""Pipeline reference for scband-others-remain-4715874091501 (READ-ONLY COPY).

The authoritative reference and input builder live on the scoring server;
editing this copy changes nothing except your own understanding.
"""

import jax, jax.numpy as jnp
import numpy as np

B = 1024
T = 200
P = 196
NO = 26
D = 128
NUM_MODALITY = 28  # 1 temporal col + 1 img col + 26 others cols
REMAIN_RTO = 0.5


def setup_inputs(seed: int = 0) -> dict:
    key = jax.random.key(seed)
    k1, k2, k3, k4 = jax.random.split(key, 4)
    return {
        "temporal_x": jax.random.normal(k1, (B, T, D), dtype=jnp.float32),
        "img_x": jax.random.normal(k2, (B, P, D), dtype=jnp.float32),
        "others_x": jax.random.normal(k3, (B, NO, D), dtype=jnp.float32),
        "pos_emb": jax.random.normal(k4, (NUM_MODALITY + 1, D), dtype=jnp.float32) * 0.02,
        "global_token": jnp.zeros((1, D), dtype=jnp.float32),
    }


def reference(temporal_x, img_x, others_x, pos_emb, global_token):
    # temporal_remain_dict has 1 col (modality 1), img_remain_dict has 1 col (modality 2),
    # others_dict has NO cols (modalities 3..3+NO-1). others_x is the stacked others dict.
    B_, NO_, D_ = others_x.shape
    # temporal: x += pos_emb(modality) with modality = zeros(shape[:-1]) + 1
    t_idx = jnp.full(temporal_x.shape[:-1], 1, dtype=jnp.int32)
    temporal_out = temporal_x + jnp.take(pos_emb, t_idx, axis=0)
    # img: modality 2
    i_idx = jnp.full(img_x.shape[:-1], 2, dtype=jnp.int32)
    img_out = img_x + jnp.take(pos_emb, i_idx, axis=0)
    # others: col j gets modality 3 + j
    mod_ids = jnp.broadcast_to(jnp.arange(3, 3 + NO_, dtype=jnp.int32)[None, :], (B_, NO_))
    others = others_x + jnp.take(pos_emb, mod_ids, axis=0)
    # apply_mask(others, remain_rto): random shuffle via argsort of noise, keep first num_remain
    num_remain = int(NO_ * REMAIN_RTO)
    noise = jax.random.uniform(jax.random.key(42), (B_, NO_), dtype=jnp.float32)
    shuffle_idx = jnp.argsort(noise, axis=-1)
    remain_idx = shuffle_idx[:, :num_remain]
    masked_idx = shuffle_idx[:, num_remain:]
    revert_idx = jnp.argsort(shuffle_idx, axis=-1)
    gather_idx = jnp.broadcast_to(remain_idx[:, :, None], (B_, num_remain, D_))
    others_remain = jnp.take_along_axis(others, gather_idx, axis=1)
    # global token (modality 0) prepended
    g_idx = jnp.zeros((B_, 1), dtype=jnp.int32)
    gt = jnp.broadcast_to(global_token[None, :, :], (B_, 1, D_)) + jnp.take(pos_emb, g_idx, axis=0)
    others_remain_data = jnp.concatenate([gt, others_remain], axis=1)
    return (temporal_out, img_out, others_remain_data, remain_idx, masked_idx, revert_idx)

if __name__ == "__main__":
    import jax
    _d = setup_inputs()
    print(jax.jit(kernel)(*tuple(_d.values())))

</pallas_src>

<mosaic_0001>
#map = affine_map<(d0, d1) -> (0, 0)>
module attributes {stable_mosaic.version = 14 : i64} {
  func.func @_sc_body(%arg0: i32, %arg1: i32, %arg2: memref<26624x128xf32, #tpu.memory_space<hbm>>, %arg3: memref<29x128xf32, #tpu.memory_space<hbm>>, %arg4: memref<1x128xf32, #tpu.memory_space<hbm>>, %arg5: memref<128x104xi32, #tpu.memory_space<hbm>>, %arg6: memref<128x104xi32, #tpu.memory_space<hbm>>, %arg7: memref<128x104xi32, #tpu.memory_space<hbm>>, %arg8: memref<14336x128xf32, #tpu.memory_space<hbm>>, %arg9: memref<4x104xi32, #tpu.memory_space<vmem>>, %arg10: memref<4x104xi32, #tpu.memory_space<vmem>>, %arg11: memref<4x104xi32, #tpu.memory_space<vmem>>, %arg12: memref<4x104x128xf32, #tpu.memory_space<vmem>>, %arg13: memref<4x104x128xf32, #tpu.memory_space<vmem>>, %arg14: memref<32x128xf32, #tpu.memory_space<vmem>>, %arg15: memref<1x128xf32, #tpu.memory_space<vmem>>, %arg16: memref<1x128xf32, #tpu.memory_space<vmem>>, %arg17: memref<!tpu.dma_semaphore, #tpu.memory_space<semaphore_mem>>, %arg18: memref<!tpu.dma_semaphore, #tpu.memory_space<semaphore_mem>>) attributes {dimension_semantics = [#tpu.dimension_semantics<core_parallel>, #tpu.dimension_semantics<subcore_parallel>], iteration_bounds = array<i64: 2, 16>, scalar_prefetch = 0 : i64, scratch_operands = 10 : i64, tpu.core_type = #tpu.core_type<sc_vector_subcore>, window_params = [{transform_indices = #map}, {transform_indices = #map}, {transform_indices = #map}, {transform_indices = #map}, {transform_indices = #map}, {transform_indices = #map}, {transform_indices = #map}]} {
    %mul3A = arith.constant 2 : i32
    %mul3A_0 = arith.muli %arg1, %mul3A : i32
    %add3A = arith.addi %mul3A_0, %arg0 : i32
    %mul3A_1 = arith.constant 4 : i32
    %mul3A_2 = arith.muli %add3A, %mul3A_1 : i32
    %add3A_3 = arith.constant 0 : i32
    %add3A_4 = arith.addi %mul3A_2, %add3A_3 : i32
    %run_scoped3A = arith.constant 0 : i32
    "tpu.region"() ({
      %run_scoped3A_390 = tpu.sem_alloc : memref<!tpu.dma_semaphore, #tpu.memory_space<semaphore_mem>>
      %dma_start3A_391 = arith.constant 0 : i32
      %dma_start3A_392 = tpu.memref_slice %arg9[%run_scoped3A, %dma_start3A_391] : memref<4x104xi32, #tpu.memory_space<vmem>> -> memref<1x104xi32, #tpu.memory_space<vmem>>
      %dma_start3A_393 = tpu.memref_squeeze %dma_start3A_392 : memref<1x104xi32, #tpu.memory_space<vmem>> -> memref<104xi32, #tpu.memory_space<vmem>>
      %dma_start3A_394 = arith.constant 0 : i32
      %dma_start3A_395 = tpu.memref_slice %arg5[%add3A_4, %dma_start3A_394] : memref<128x104xi32, #tpu.memory_space<hbm>> -> memref<1x104xi32, #tpu.memory_space<hbm>>
      %dma_start3A_396 = tpu.memref_squeeze %dma_start3A_395 : memref<1x104xi32, #tpu.memory_space<hbm>> -> memref<104xi32, #tpu.memory_space<hbm>>
      %dma_start3A_397 = arith.constant 0 : i32
      %dma_start3A_398 = tpu.memref_slice %arg9[%run_scoped3A, %dma_start3A_397] : memref<4x104xi32, #tpu.memory_space<vmem>> -> memref<1x104xi32, #tpu.memory_space<vmem>>
      %dma_start3A_399 = tpu.memref_squeeze %dma_start3A_398 : memref<1x104xi32, #tpu.memory_space<vmem>> -> memref<104xi32, #tpu.memory_space<vmem>>
      %dma_start3A_400 = arith.constant 0 : i32
      %dma_start3A_401 = tpu.memref_slice %arg5[%add3A_4, %dma_start3A_400] : memref<128x104xi32, #tpu.memory_space<hbm>> -> memref<1x104xi32, #tpu.memory_space<hbm>>
      %dma_start3A_402 = tpu.memref_squeeze %dma_start3A_401 : memref<1x104xi32, #tpu.memory_space<hbm>> -> memref<104xi32, #tpu.memory_space<hbm>>
      tpu.enqueue_dma source(%dma_start3A_402 : memref<104xi32, #tpu.memory_space<hbm>>) target(%dma_start3A_399 : memref<104xi32, #tpu.memory_space<vmem>>) target_semaphore(%run_scoped3A_390 : memref<!tpu.dma_semaphore, #tpu.memory_space<semaphore_mem>>)
      %dma_wait3A_403 = arith.constant 0 : i32
      %dma_wait3A_404 = tpu.memref_slice %arg9[%run_scoped3A, %dma_wait3A_403] : memref<4x104xi32, #tpu.memory_space<vmem>> -> memref<1x104xi32, #tpu.memory_space<vmem>>
      %dma_wait3A_405 = tpu.memref_squeeze %dma_wait3A_404 : memref<1x104xi32, #tpu.memory_space<vmem>> -> memref<104xi32, #tpu.memory_space<vmem>>
      %dma_wait3A_406 = arith.constant 0 : i32
      %dma_wait3A_407 = tpu.memref_slice %arg5[%add3A_4, %dma_wait3A_406] : memref<128x104xi32, #tpu.memory_space<hbm>> -> memref<1x104xi32, #tpu.memory_space<hbm>>
      %dma_wait3A_408 = tpu.memref_squeeze %dma_wait3A_407 : memref<1x104xi32, #tpu.memory_space<hbm>> -> memref<104xi32, #tpu.memory_space<hbm>>
      %dma_wait3A_409 = arith.constant 0 : i32
      %dma_wait3A_410 = tpu.memref_slice %arg9[%run_scoped3A, %dma_wait3A_409] : memref<4x104xi32, #tpu.memory_space<vmem>> -> memref<1x104xi32, #tpu.memory_space<vmem>>
      %dma_wait3A_411 = tpu.memref_squeeze %dma_wait3A_410 : memref<1x104xi32, #tpu.memory_space<vmem>> -> memref<104xi32, #tpu.memory_space<vmem>>
      %dma_wait3A_412 = arith.constant 0 : i32
      %dma_wait3A_413 = tpu.memref_slice %arg5[%add3A_4, %dma_wait3A_412] : memref<128x104xi32, #tpu.memory_space<hbm>> -> memref<1x104xi32, #tpu.memory_space<hbm>>
      %dma_wait3A_414 = tpu.memref_squeeze %dma_wait3A_413 : memref<1x104xi32, #tpu.memory_space<hbm>> -> memref<104xi32, #tpu.memory_space<hbm>>
      tpu.wait_dma2 semaphore(%run_scoped3A_390 : memref<!tpu.dma_semaphore, #tpu.memory_space<semaphore_mem>>) src(%dma_wait3A_414 : memref<104xi32, #tpu.memory_space<hbm>>) dst(%dma_wait3A_411 : memref<104xi32, #tpu.memory_space<vmem>>)
      tpu.yield
    }) : () -> ()
    %mul3A_5 = arith.constant 4 : i32
    %mul3A_6 = arith.muli %add3A, %mul3A_5 : i32
    %add3A_7 = arith.constant 0 : i32
    %add3A_8 = arith.addi %mul3A_6, %add3A_7 : i32
    %run_scoped3A_9 = arith.constant 0 : i32
    "tpu.region"() ({
      %run_scoped3A_390 = tpu.sem_alloc : memref<!tpu.dma_semaphore, #tpu.memory_space<semaphore_mem>>
      %dma_start3A_391 = arith.constant 0 : i32
      %dma_start3A_392 = tpu.memref_slice %arg10[%run_scoped3A_9, %dma_start3A_391] : memref<4x104xi32, #tpu.memory_space<vmem>> -> memref<1x104xi32, #tpu.memory_space<vmem>>
      %dma_start3A_393 = tpu.memref_squeeze %dma_start3A_392 : memref<1x104xi32, #tpu.memory_space<vmem>> -> memref<104xi32, #tpu.memory_space<vmem>>
      %dma_start3A_394 = arith.constant 0 : i32
      %dma_start3A_395 = tpu.memref_slice %arg6[%add3A_8, %dma_start3A_394] : memref<128x104xi32, #tpu.memory_space<hbm>> -> memref<1x104xi32, #tpu.memory_space<hbm>>
      %dma_start3A_396 = tpu.memref_squeeze %dma_start3A_395 : memref<1x104xi32, #tpu.memory_space<hbm>> -> memref<104xi32, #tpu.memory_space<hbm>>
      %dma_start3A_397 = arith.constant 0 : i32
      %dma_start3A_398 = tpu.memref_slice %arg10[%run_scoped3A_9, %dma_start3A_397] : memref<4x104xi32, #tpu.memory_space<vmem>> -> memref<1x104xi32, #tpu.memory_space<vmem>>
      %dma_start3A_399 = tpu.memref_squeeze %dma_start3A_398 : memref<1x104xi32, #tpu.memory_space<vmem>> -> memref<104xi32, #tpu.memory_space<vmem>>
      %dma_start3A_400 = arith.constant 0 : i32
      %dma_start3A_401 = tpu.memref_slice %arg6[%add3A_8, %dma_start3A_400] : memref<128x104xi32, #tpu.memory_space<hbm>> -> memref<1x104xi32, #tpu.memory_space<hbm>>
      %dma_start3A_402 = tpu.memref_squeeze %dma_start3A_401 : memref<1x104xi32, #tpu.memory_space<hbm>> -> memref<104xi32, #tpu.memory_space<hbm>>
      tpu.enqueue_dma source(%dma_start3A_402 : memref<104xi32, #tpu.memory_space<hbm>>) target(%dma_start3A_399 : memref<104xi32, #tpu.memory_space<vmem>>) target_semaphore(%run_scoped3A_390 : memref<!tpu.dma_semaphore, #tpu.memory_space<semaphore_mem>>)
      %dma_wait3A_403 = arith.constant 0 : i32
      %dma_wait3A_404 = tpu.memref_slice %arg10[%run_scoped3A_9, %dma_wait3A_403] : memref<4x104xi32, #tpu.memory_space<vmem>> -> memref<1x104xi32, #tpu.memory_space<vmem>>
      %dma_wait3A_405 = tpu.memref_squeeze %dma_wait3A_404 : memref<1x104xi32, #tpu.memory_space<vmem>> -> memref<104xi32, #tpu.memory_space<vmem>>
      %dma_wait3A_406 = arith.constant 0 : i32
      %dma_wait3A_407 = tpu.memref_slice %arg6[%add3A_8, %dma_wait3A_406] : memref<128x104xi32, #tpu.memory_space<hbm>> -> memref<1x104xi32, #tpu.memory_space<hbm>>
      %dma_wait3A_408 = tpu.memref_squeeze %dma_wait3A_407 : memref<1x104xi32, #tpu.memory_space<hbm>> -> memref<104xi32, #tpu.memory_space<hbm>>
      %dma_wait3A_409 = arith.constant 0 : i32
      %dma_wait3A_410 = tpu.memref_slice %arg10[%run_scoped3A_9, %dma_wait3A_409] : memref<4x104xi32, #tpu.memory_space<vmem>> -> memref<1x104xi32, #tpu.memory_space<vmem>>
      %dma_wait3A_411 = tpu.memref_squeeze %dma_wait3A_410 : memref<1x104xi32, #tpu.memory_space<vmem>> -> memref<104xi32, #tpu.memory_space<vmem>>
      %dma_wait3A_412 = arith.constant 0 : i32
      %dma_wait3A_413 = tpu.memref_slice %arg6[%add3A_8, %dma_wait3A_412] : memref<128x104xi32, #tpu.memory_space<hbm>> -> memref<1x104xi32, #tpu.memory_space<hbm>>
      %dma_wait3A_414 = tpu.memref_squeeze %dma_wait3A_413 : memref<1x104xi32, #tpu.memory_space<hbm>> -> memref<104xi32, #tpu.memory_space<hbm>>
      tpu.wait_dma2 semaphore(%run_scoped3A_390 : memref<!tpu.dma_semaphore, #tpu.memory_space<semaphore_mem>>) src(%dma_wait3A_414 : memref<104xi32, #tpu.memory_space<hbm>>) dst(%dma_wait3A_411 : memref<104xi32, #tpu.memory_space<vmem>>)
      tpu.yield
    }) : () -> ()
    %dma_start3A = arith.constant 0 : i32
    %dma_start3A_10 = arith.constant 0 : i32
    %dma_start3A_11 = arith.constant 0 : i32
    %dma_start3A_12 = arith.constant 0 : i32
    %dma_start3A_13 = tpu.memref_slice %arg12[%dma_start3A_10, %dma_start3A_11, %dma_start3A_12] : memref<4x104x128xf32, #tpu.memory_space<vmem>> -> memref<1x104x128xf32, #tpu.memory_space<vmem>>
    %dma_start3A_14 = tpu.memref_squeeze %dma_start3A_13 : memref<1x104x128xf32, #tpu.memory_space<vmem>> -> memref<104x128xf32, #tpu.memory_space<vmem>>
    %dma_start3A_15 = arith.constant 0 : i32
    %dma_start3A_16 = tpu.memref_slice %arg9[%dma_start3A, %dma_start3A_15] : memref<4x104xi32, #tpu.memory_space<vmem>> -> memref<1x104xi32, #tpu.memory_space<vmem>>
    %dma_start3A_17 = tpu.memref_squeeze %dma_start3A_16 : memref<1x104xi32, #tpu.memory_space<vmem>> -> memref<104xi32, #tpu.memory_space<vmem>>
    %dma_start3A_18 = arith.constant 0 : i32
    %dma_start3A_19 = arith.constant 0 : i32
    %dma_start3A_20 = tpu.memref_slice %arg2[%dma_start3A_18, %dma_start3A_19] : memref<26624x128xf32, #tpu.memory_space<hbm>> -> memref<26624x128xf32, #tpu.memory_space<hbm>>
    tpu.enqueue_indirect_dma source(%dma_start3A_20 : memref<26624x128xf32, #tpu.memory_space<hbm>>) target(%dma_start3A_14 : memref<104x128xf32, #tpu.memory_space<vmem>>) offsets(%dma_start3A_17 : memref<104xi32, #tpu.memory_space<vmem>>) semaphore(%arg17 : memref<!tpu.dma_semaphore, #tpu.memory_space<semaphore_mem>>)
    %dma_start3A_21 = arith.constant 0 : i32
    %dma_start3A_22 = arith.constant 0 : i32
    %dma_start3A_23 = arith.constant 0 : i32
    %dma_start3A_24 = arith.constant 0 : i32
    %dma_start3A_25 = tpu.memref_slice %arg13[%dma_start3A_22, %dma_start3A_23, %dma_start3A_24] : memref<4x104x128xf32, #tpu.memory_space<vmem>> -> memref<1x104x128xf32, #tpu.memory_space<vmem>>
    %dma_start3A_26 = tpu.memref_squeeze %dma_start3A_25 : memref<1x104x128xf32, #tpu.memory_space<vmem>> -> memref<104x128xf32, #tpu.memory_space<vmem>>
    %dma_start3A_27 = arith.constant 0 : i32
    %dma_start3A_28 = tpu.memref_slice %arg10[%dma_start3A_21, %dma_start3A_27] : memref<4x104xi32, #tpu.memory_space<vmem>> -> memref<1x104xi32, #tpu.memory_space<vmem>>
    %dma_start3A_29 = tpu.memref_squeeze %dma_start3A_28 : memref<1x104xi32, #tpu.memory_space<vmem>> -> memref<104xi32, #tpu.memory_space<vmem>>
    %dma_start3A_30 = arith.constant 0 : i32
    %dma_start3A_31 = arith.constant 0 : i32
    %dma_start3A_32 = tpu.memref_slice %arg3[%dma_start3A_30, %dma_start3A_31] : memref<29x128xf32, #tpu.memory_space<hbm>> -> memref<29x128xf32, #tpu.memory_space<hbm>>
    tpu.enqueue_indirect_dma source(%dma_start3A_32 : memref<29x128xf32, #tpu.memory_space<hbm>>) target(%dma_start3A_26 : memref<104x128xf32, #tpu.memory_space<vmem>>) offsets(%dma_start3A_29 : memref<104xi32, #tpu.memory_space<vmem>>) semaphore(%arg17 : memref<!tpu.dma_semaphore, #tpu.memory_space<semaphore_mem>>)
    %mul3A_33 = arith.constant 4 : i32
    %mul3A_34 = arith.muli %add3A, %mul3A_33 : i32
    %add3A_35 = arith.constant 1 : i32
    %add3A_36 = arith.addi %mul3A_34, %add3A_35 : i32
    %run_scoped3A_37 = arith.constant 1 : i32
    "tpu.region"() ({
      %run_scoped3A_390 = tpu.sem_alloc : memref<!tpu.dma_semaphore, #tpu.memory_space<semaphore_mem>>
      %dma_start3A_391 = arith.constant 0 : i32
      %dma_start3A_392 = tpu.memref_slice %arg9[%run_scoped3A_37, %dma_start3A_391] : memref<4x104xi32, #tpu.memory_space<vmem>> -> memref<1x104xi32, #tpu.memory_space<vmem>>
      %dma_start3A_393 = tpu.memref_squeeze %dma_start3A_392 : memref<1x104xi32, #tpu.memory_space<vmem>> -> memref<104xi32, #tpu.memory_space<vmem>>
      %dma_start3A_394 = arith.constant 0 : i32
      %dma_start3A_395 = tpu.memref_slice %arg5[%add3A_36, %dma_start3A_394] : memref<128x104xi32, #tpu.memory_space<hbm>> -> memref<1x104xi32, #tpu.memory_space<hbm>>
      %dma_start3A_396 = tpu.memref_squeeze %dma_start3A_395 : memref<1x104xi32, #tpu.memory_space<hbm>> -> memref<104xi32, #tpu.memory_space<hbm>>
      %dma_start3A_397 = arith.constant 0 : i32
      %dma_start3A_398 = tpu.memref_slice %arg9[%run_scoped3A_37, %dma_start3A_397] : memref<4x104xi32, #tpu.memory_space<vmem>> -> memref<1x104xi32, #tpu.memory_space<vmem>>
      %dma_start3A_399 = tpu.memref_squeeze %dma_start3A_398 : memref<1x104xi32, #tpu.memory_space<vmem>> -> memref<104xi32, #tpu.memory_space<vmem>>
      %dma_start3A_400 = arith.constant 0 : i32
      %dma_start3A_401 = tpu.memref_slice %arg5[%add3A_36, %dma_start3A_400] : memref<128x104xi32, #tpu.memory_space<hbm>> -> memref<1x104xi32, #tpu.memory_space<hbm>>
      %dma_start3A_402 = tpu.memref_squeeze %dma_start3A_401 : memref<1x104xi32, #tpu.memory_space<hbm>> -> memref<104xi32, #tpu.memory_space<hbm>>
      tpu.enqueue_dma source(%dma_start3A_402 : memref<104xi32, #tpu.memory_space<hbm>>) target(%dma_start3A_399 : memref<104xi32, #tpu.memory_space<vmem>>) target_semaphore(%run_scoped3A_390 : memref<!tpu.dma_semaphore, #tpu.memory_space<semaphore_mem>>)
      %dma_wait3A_403 = arith.constant 0 : i32
      %dma_wait3A_404 = tpu.memref_slice %arg9[%run_scoped3A_37, %dma_wait3A_403] : memref<4x104xi32, #tpu.memory_space<vmem>> -> memref<1x104xi32, #tpu.memory_space<vmem>>
      %dma_wait3A_405 = tpu.memref_squeeze %dma_wait3A_404 : memref<1x104xi32, #tpu.memory_space<vmem>> -> memref<104xi32, #tpu.memory_space<vmem>>
      %dma_wait3A_406 = arith.constant 0 : i32
      %dma_wait3A_407 = tpu.memref_slice %arg5[%add3A_36, %dma_wait3A_406] : memref<128x104xi32, #tpu.memory_space<hbm>> -> memref<1x104xi32, #tpu.memory_space<hbm>>
      %dma_wait3A_408 = tpu.memref_squeeze %dma_wait3A_407 : memref<1x104xi32, #tpu.memory_space<hbm>> -> memref<104xi32, #tpu.memory_space<hbm>>
      %dma_wait3A_409 = arith.constant 0 : i32
      %dma_wait3A_410 = tpu.memref_slice %arg9[%run_scoped3A_37, %dma_wait3A_409] : memref<4x104xi32, #tpu.memory_space<vmem>> -> memref<1x104xi32, #tpu.memory_space<vmem>>
      %dma_wait3A_411 = tpu.memref_squeeze %dma_wait3A_410 : memref<1x104xi32, #tpu.memory_space<vmem>> -> memref<104xi32, #tpu.memory_space<vmem>>
      %dma_wait3A_412 = arith.constant 0 : i32
      %dma_wait3A_413 = tpu.memref_slice %arg5[%add3A_36, %dma_wait3A_412] : memref<128x104xi32, #tpu.memory_space<hbm>> -> memref<1x104xi32, #tpu.memory_space<hbm>>
      %dma_wait3A_414 = tpu.memref_squeeze %dma_wait3A_413 : memref<1x104xi32, #tpu.memory_space<hbm>> -> memref<104xi32, #tpu.memory_space<hbm>>
      tpu.wait_dma2 semaphore(%run_scoped3A_390 : memref<!tpu.dma_semaphore, #tpu.memory_space<semaphore_mem>>) src(%dma_wait3A_414 : memref<104xi32, #tpu.memory_space<hbm>>) dst(%dma_wait3A_411 : memref<104xi32, #tpu.memory_space<vmem>>)
      tpu.yield
    }) : () -> ()
    %mul3A_38 = arith.constant 4 : i32
    %mul3A_39 = arith.muli %add3A, %mul3A_38 : i32
    %add3A_40 = arith.constant 1 : i32
    %add3A_41 = arith.addi %mul3A_39, %add3A_40 : i32
    %run_scoped3A_42 = arith.constant 1 : i32
    "tpu.region"() ({
      %run_scoped3A_390 = tpu.sem_alloc : memref<!tpu.dma_semaphore, #tpu.memory_space<semaphore_mem>>
      %dma_start3A_391 = arith.constant 0 : i32
      %dma_start3A_392 = tpu.memref_slice %arg10[%run_scoped3A_42, %dma_start3A_391] : memref<4x104xi32, #tpu.memory_space<vmem>> -> memref<1x104xi32, #tpu.memory_space<vmem>>
      %dma_start3A_393 = tpu.memref_squeeze %dma_start3A_392 : memref<1x104xi32, #tpu.memory_space<vmem>> -> memref<104xi32, #tpu.memory_space<vmem>>
      %dma_start3A_394 = arith.constant 0 : i32
      %dma_start3A_395 = tpu.memref_slice %arg6[%add3A_41, %dma_start3A_394] : memref<128x104xi32, #tpu.memory_space<hbm>> -> memref<1x104xi32, #tpu.memory_space<hbm>>
      %dma_start3A_396 = tpu.memref_squeeze %dma_start3A_395 : memref<1x104xi32, #tpu.memory_space<hbm>> -> memref<104xi32, #tpu.memory_space<hbm>>
      %dma_start3A_397 = arith.constant 0 : i32
      %dma_start3A_398 = tpu.memref_slice %arg10[%run_scoped3A_42, %dma_start3A_397] : memref<4x104xi32, #tpu.memory_space<vmem>> -> memref<1x104xi32, #tpu.memory_space<vmem>>
      %dma_start3A_399 = tpu.memref_squeeze %dma_start3A_398 : memref<1x104xi32, #tpu.memory_space<vmem>> -> memref<104xi32, #tpu.memory_space<vmem>>
      %dma_start3A_400 = arith.constant 0 : i32
      %dma_start3A_401 = tpu.memref_slice %arg6[%add3A_41, %dma_start3A_400] : memref<128x104xi32, #tpu.memory_space<hbm>> -> memref<1x104xi32, #tpu.memory_space<hbm>>
      %dma_start3A_402 = tpu.memref_squeeze %dma_start3A_401 : memref<1x104xi32, #tpu.memory_space<hbm>> -> memref<104xi32, #tpu.memory_space<hbm>>
      tpu.enqueue_dma source(%dma_start3A_402 : memref<104xi32, #tpu.memory_space<hbm>>) target(%dma_start3A_399 : memref<104xi32, #tpu.memory_space<vmem>>) target_semaphore(%run_scoped3A_390 : memref<!tpu.dma_semaphore, #tpu.memory_space<semaphore_mem>>)
      %dma_wait3A_403 = arith.constant 0 : i32
      %dma_wait3A_404 = tpu.memref_slice %arg10[%run_scoped3A_42, %dma_wait3A_403] : memref<4x104xi32, #tpu.memory_space<vmem>> -> memref<1x104xi32, #tpu.memory_space<vmem>>
      %dma_wait3A_405 = tpu.memref_squeeze %dma_wait3A_404 : memref<1x104xi32, #tpu.memory_space<vmem>> -> memref<104xi32, #tpu.memory_space<vmem>>
      %dma_wait3A_406 = arith.constant 0 : i32
      %dma_wait3A_407 = tpu.memref_slice %arg6[%add3A_41, %dma_wait3A_406] : memref<128x104xi32, #tpu.memory_space<hbm>> -> memref<1x104xi32, #tpu.memory_space<hbm>>
      %dma_wait3A_408 = tpu.memref_squeeze %dma_wait3A_407 : memref<1x104xi32, #tpu.memory_space<hbm>> -> memref<104xi32, #tpu.memory_space<hbm>>
      %dma_wait3A_409 = arith.constant 0 : i32
      %dma_wait3A_410 = tpu.memref_slice %arg10[%run_scoped3A_42, %dma_wait3A_409] : memref<4x104xi32, #tpu.memory_space<vmem>> -> memref<1x104xi32, #tpu.memory_space<vmem>>
      %dma_wait3A_411 = tpu.memref_squeeze %dma_wait3A_410 : memref<1x104xi32, #tpu.memory_space<vmem>> -> memref<104xi32, #tpu.memory_space<vmem>>
      %dma_wait3A_412 = arith.constant 0 : i32
      %dma_wait3A_413 = tpu.memref_slice %arg6[%add3A_41, %dma_wait3A_412] : memref<128x104xi32, #tpu.memory_space<hbm>> -> memref<1x104xi32, #tpu.memory_space<hbm>>
      %dma_wait3A_414 = tpu.memref_squeeze %dma_wait3A_413 : memref<1x104xi32, #tpu.memory_space<hbm>> -> memref<104xi32, #tpu.memory_space<hbm>>
      tpu.wait_dma2 semaphore(%run_scoped3A_390 : memref<!tpu.dma_semaphore, #tpu.memory_space<semaphore_mem>>) src(%dma_wait3A_414 : memref<104xi32, #tpu.memory_space<hbm>>) dst(%dma_wait3A_411 : memref<104xi32, #tpu.memory_space<vmem>>)
      tpu.yield
    }) : () -> ()
    %dma_start3A_43 = arith.constant 1 : i32
    %dma_start3A_44 = arith.constant 1 : i32
    %dma_start3A_45 = arith.constant 0 : i32
    %dma_start3A_46 = arith.constant 0 : i32
    %dma_start3A_47 = tpu.memref_slice %arg12[%dma_start3A_44, %dma_start3A_45, %dma_start3A_46] : memref<4x104x128xf32, #tpu.memory_space<vmem>> -> memref<1x104x128xf32, #tpu.memory_space<vmem>>
    %dma_start3A_48 = tpu.memref_squeeze %dma_start3A_47 : memref<1x104x128xf32, #tpu.memory_space<vmem>> -> memref<104x128xf32, #tpu.memory_space<vmem>>
    %dma_start3A_49 = arith.constant 0 : i32
    %dma_start3A_50 = tpu.memref_slice %arg9[%dma_start3A_43, %dma_start3A_49] : memref<4x104xi32, #tpu.memory_space<vmem>> -> memref<1x104xi32, #tpu.memory_space<vmem>>
    %dma_start3A_51 = tpu.memref_squeeze %dma_start3A_50 : memref<1x104xi32, #tpu.memory_space<vmem>> -> memref<104xi32, #tpu.memory_space<vmem>>
    %dma_start3A_52 = arith.constant 0 : i32
    %dma_start3A_53 = arith.constant 0 : i32
    %dma_start3A_54 = tpu.memref_slice %arg2[%dma_start3A_52, %dma_start3A_53] : memref<26624x128xf32, #tpu.memory_space<hbm>> -> memref<26624x128xf32, #tpu.memory_space<hbm>>
    tpu.enqueue_indirect_dma source(%dma_start3A_54 : memref<26624x128xf32, #tpu.memory_space<hbm>>) target(%dma_start3A_48 : memref<104x128xf32, #tpu.memory_space<vmem>>) offsets(%dma_start3A_51 : memref<104xi32, #tpu.memory_space<vmem>>) semaphore(%arg17 : memref<!tpu.dma_semaphore, #tpu.memory_space<semaphore_mem>>)
    %dma_start3A_55 = arith.constant 1 : i32
    %dma_start3A_56 = arith.constant 1 : i32
    %dma_start3A_57 = arith.constant 0 : i32
    %dma_start3A_58 = arith.constant 0 : i32
    %dma_start3A_59 = tpu.memref_slice %arg13[%dma_start3A_56, %dma_start3A_57, %dma_start3A_58] : memref<4x104x128xf32, #tpu.memory_space<vmem>> -> memref<1x104x128xf32, #tpu.memory_space<vmem>>
    %dma_start3A_60 = tpu.memref_squeeze %dma_start3A_59 : memref<1x104x128xf32, #tpu.memory_space<vmem>> -> memref<104x128xf32, #tpu.memory_space<vmem>>
    %dma_start3A_61 = arith.constant 0 : i32
    %dma_start3A_62 = tpu.memref_slice %arg10[%dma_start3A_55, %dma_start3A_61] : memref<4x104xi32, #tpu.memory_space<vmem>> -> memref<1x104xi32, #tpu.memory_space<vmem>>
    %dma_start3A_63 = tpu.memref_squeeze %dma_start3A_62 : memref<1x104xi32, #tpu.memory_space<vmem>> -> memref<104xi32, #tpu.memory_space<vmem>>
    %dma_start3A_64 = arith.constant 0 : i32
    %dma_start3A_65 = arith.constant 0 : i32
    %dma_start3A_66 = tpu.memref_slice %arg3[%dma_start3A_64, %dma_start3A_65] : memref<29x128xf32, #tpu.memory_space<hbm>> -> memref<29x128xf32, #tpu.memory_space<hbm>>
    tpu.enqueue_indirect_dma source(%dma_start3A_66 : memref<29x128xf32, #tpu.memory_space<hbm>>) target(%dma_start3A_60 : memref<104x128xf32, #tpu.memory_space<vmem>>) offsets(%dma_start3A_63 : memref<104xi32, #tpu.memory_space<vmem>>) semaphore(%arg17 : memref<!tpu.dma_semaphore, #tpu.memory_space<semaphore_mem>>)
    %mul3A_67 = arith.constant 4 : i32
    %mul3A_68 = arith.muli %add3A, %mul3A_67 : i32
    %add3A_69 = arith.constant 2 : i32
    %add3A_70 = arith.addi %mul3A_68, %add3A_69 : i32
    %run_scoped3A_71 = arith.constant 2 : i32
    "tpu.region"() ({
      %run_scoped3A_390 = tpu.sem_alloc : memref<!tpu.dma_semaphore, #tpu.memory_space<semaphore_mem>>
      %dma_start3A_391 = arith.constant 0 : i32
      %dma_start3A_392 = tpu.memref_slice %arg9[%run_scoped3A_71, %dma_start3A_391] : memref<4x104xi32, #tpu.memory_space<vmem>> -> memref<1x104xi32, #tpu.memory_space<vmem>>
      %dma_start3A_393 = tpu.memref_squeeze %dma_start3A_392 : memref<1x104xi32, #tpu.memory_space<vmem>> -> memref<104xi32, #tpu.memory_space<vmem>>
      %dma_start3A_394 = arith.constant 0 : i32
      %dma_start3A_395 = tpu.memref_slice %arg5[%add3A_70, %dma_start3A_394] : memref<128x104xi32, #tpu.memory_space<hbm>> -> memref<1x104xi32, #tpu.memory_space<hbm>>
      %dma_start3A_396 = tpu.memref_squeeze %dma_start3A_395 : memref<1x104xi32, #tpu.memory_space<hbm>> -> memref<104xi32, #tpu.memory_space<hbm>>
      %dma_start3A_397 = arith.constant 0 : i32
      %dma_start3A_398 = tpu.memref_slice %arg9[%run_scoped3A_71, %dma_start3A_397] : memref<4x104xi32, #tpu.memory_space<vmem>> -> memref<1x104xi32, #tpu.memory_space<vmem>>
      %dma_start3A_399 = tpu.memref_squeeze %dma_start3A_398 : memref<1x104xi32, #tpu.memory_space<vmem>> -> memref<104xi32, #tpu.memory_space<vmem>>
      %dma_start3A_400 = arith.constant 0 : i32
      %dma_start3A_401 = tpu.memref_slice %arg5[%add3A_70, %dma_start3A_400] : memref<128x104xi32, #tpu.memory_space<hbm>> -> memref<1x104xi32, #tpu.memory_space<hbm>>
      %dma_start3A_402 = tpu.memref_squeeze %dma_start3A_401 : memref<1x104xi32, #tpu.memory_space<hbm>> -> memref<104xi32, #tpu.memory_space<hbm>>
      tpu.enqueue_dma source(%dma_start3A_402 : memref<104xi32, #tpu.memory_space<hbm>>) target(%dma_start3A_399 : memref<104xi32, #tpu.memory_space<vmem>>) target_semaphore(%run_scoped3A_390 : memref<!tpu.dma_semaphore, #tpu.memory_space<semaphore_mem>>)
      %dma_wait3A_403 = arith.constant 0 : i32
      %dma_wait3A_404 = tpu.memref_slice %arg9[%run_scoped3A_71, %dma_wait3A_403] : memref<4x104xi32, #tpu.memory_space<vmem>> -> memref<1x104xi32, #tpu.memory_space<vmem>>
      %dma_wait3A_405 = tpu.memref_squeeze %dma_wait3A_404 : memref<1x104xi32, #tpu.memory_space<vmem>> -> memref<104xi32, #tpu.memory_space<vmem>>
      %dma_wait3A_406 = arith.constant 0 : i32
      %dma_wait3A_407 = tpu.memref_slice %arg5[%add3A_70, %dma_wait3A_406] : memref<128x104xi32, #tpu.memory_space<hbm>> -> memref<1x104xi32, #tpu.memory_space<hbm>>
      %dma_wait3A_408 = tpu.memref_squeeze %dma_wait3A_407 : memref<1x104xi32, #tpu.memory_space<hbm>> -> memref<104xi32, #tpu.memory_space<hbm>>
      %dma_wait3A_409 = arith.constant 0 : i32
      %dma_wait3A_410 = tpu.memref_slice %arg9[%run_scoped3A_71, %dma_wait3A_409] : memref<4x104xi32, #tpu.memory_space<vmem>> -> memref<1x104xi32, #tpu.memory_space<vmem>>
      %dma_wait3A_411 = tpu.memref_squeeze %dma_wait3A_410 : memref<1x104xi32, #tpu.memory_space<vmem>> -> memref<104xi32, #tpu.memory_space<vmem>>
      %dma_wait3A_412 = arith.constant 0 : i32
      %dma_wait3A_413 = tpu.memref_slice %arg5[%add3A_70, %dma_wait3A_412] : memref<128x104xi32, #tpu.memory_space<hbm>> -> memref<1x104xi32, #tpu.memory_space<hbm>>
      %dma_wait3A_414 = tpu.memref_squeeze %dma_wait3A_413 : memref<1x104xi32, #tpu.memory_space<hbm>> -> memref<104xi32, #tpu.memory_space<hbm>>
      tpu.wait_dma2 semaphore(%run_scoped3A_390 : memref<!tpu.dma_semaphore, #tpu.memory_space<semaphore_mem>>) src(%dma_wait3A_414 : memref<104xi32, #tpu.memory_space<hbm>>) dst(%dma_wait3A_411 : memref<104xi32, #tpu.memory_space<vmem>>)
      tpu.yield
    }) : () -> ()
    %mul3A_72 = arith.constant 4 : i32
    %mul3A_73 = arith.muli %add3A, %mul3A_72 : i32
    %add3A_74 = arith.constant 2 : i32
    %add3A_75 = arith.addi %mul3A_73, %add3A_74 : i32
    %run_scoped3A_76 = arith.constant 2 : i32
    "tpu.region"() ({
      %run_scoped3A_390 = tpu.sem_alloc : memref<!tpu.dma_semaphore, #tpu.memory_space<semaphore_mem>>
      %dma_start3A_391 = arith.constant 0 : i32
      %dma_start3A_392 = tpu.memref_slice %arg10[%run_scoped3A_76, %dma_start3A_391] : memref<4x104xi32, #tpu.memory_space<vmem>> -> memref<1x104xi32, #tpu.memory_space<vmem>>
      %dma_start3A_393 = tpu.memref_squeeze %dma_start3A_392 : memref<1x104xi32, #tpu.memory_space<vmem>> -> memref<104xi32, #tpu.memory_space<vmem>>
      %dma_start3A_394 = arith.constant 0 : i32
      %dma_start3A_395 = tpu.memref_slice %arg6[%add3A_75, %dma_start3A_394] : memref<128x104xi32, #tpu.memory_space<hbm>> -> memref<1x104xi32, #tpu.memory_space<hbm>>
      %dma_start3A_396 = tpu.memref_squeeze %dma_start3A_395 : memref<1x104xi32, #tpu.memory_space<hbm>> -> memref<104xi32, #tpu.memory_space<hbm>>
      %dma_start3A_397 = arith.constant 0 : i32
      %dma_start3A_398 = tpu.memref_slice %arg10[%run_scoped3A_76, %dma_start3A_397] : memref<4x104xi32, #tpu.memory_space<vmem>> -> memref<1x104xi32, #tpu.memory_space<vmem>>
      %dma_start3A_399 = tpu.memref_squeeze %dma_start3A_398 : memref<1x104xi32, #tpu.memory_space<vmem>> -> memref<104xi32, #tpu.memory_space<vmem>>
      %dma_start3A_400 = arith.constant 0 : i32
      %dma_start3A_401 = tpu.memref_slice %arg6[%add3A_75, %dma_start3A_400] : memref<128x104xi32, #tpu.memory_space<hbm>> -> memref<1x104xi32, #tpu.memory_space<hbm>>
      %dma_start3A_402 = tpu.memref_squeeze %dma_start3A_401 : memref<1x104xi32, #tpu.memory_space<hbm>> -> memref<104xi32, #tpu.memory_space<hbm>>
      tpu.enqueue_dma source(%dma_start3A_402 : memref<104xi32, #tpu.memory_space<hbm>>) target(%dma_start3A_399 : memref<104xi32, #tpu.memory_space<vmem>>) target_semaphore(%run_scoped3A_390 : memref<!tpu.dma_semaphore, #tpu.memory_space<semaphore_mem>>)
      %dma_wait3A_403 = arith.constant 0 : i32
      %dma_wait3A_404 = tpu.memref_slice %arg10[%run_scoped3A_76, %dma_wait3A_403] : memref<4x104xi32, #tpu.memory_space<vmem>> -> memref<1x104xi32, #tpu.memory_space<vmem>>
      %dma_wait3A_405 = tpu.memref_squeeze %dma_wait3A_404 : memref<1x104xi32, #tpu.memory_space<vmem>> -> memref<104xi32, #tpu.memory_space<vmem>>
      %dma_wait3A_406 = arith.constant 0 : i32
      %dma_wait3A_407 = tpu.memref_slice %arg6[%add3A_75, %dma_wait3A_406] : memref<128x104xi32, #tpu.memory_space<hbm>> -> memref<1x104xi32, #tpu.memory_space<hbm>>
      %dma_wait3A_408 = tpu.memref_squeeze %dma_wait3A_407 : memref<1x104xi32, #tpu.memory_space<hbm>> -> memref<104xi32, #tpu.memory_space<hbm>>
      %dma_wait3A_409 = arith.constant 0 : i32
      %dma_wait3A_410 = tpu.memref_slice %arg10[%run_scoped3A_76, %dma_wait3A_409] : memref<4x104xi32, #tpu.memory_space<vmem>> -> memref<1x104xi32, #tpu.memory_space<vmem>>
      %dma_wait3A_411 = tpu.memref_squeeze %dma_wait3A_410 : memref<1x104xi32, #tpu.memory_space<vmem>> -> memref<104xi32, #tpu.memory_space<vmem>>
      %dma_wait3A_412 = arith.constant 0 : i32
      %dma_wait3A_413 = tpu.memref_slice %arg6[%add3A_75, %dma_wait3A_412] : memref<128x104xi32, #tpu.memory_space<hbm>> -> memref<1x104xi32, #tpu.memory_space<hbm>>
      %dma_wait3A_414 = tpu.memref_squeeze %dma_wait3A_413 : memref<1x104xi32, #tpu.memory_space<hbm>> -> memref<104xi32, #tpu.memory_space<hbm>>
      tpu.wait_dma2 semaphore(%run_scoped3A_390 : memref<!tpu.dma_semaphore, #tpu.memory_space<semaphore_mem>>) src(%dma_wait3A_414 : memref<104xi32, #tpu.memory_space<hbm>>) dst(%dma_wait3A_411 : memref<104xi32, #tpu.memory_space<vmem>>)
      tpu.yield
    }) : () -> ()
    %dma_start3A_77 = arith.constant 2 : i32
    %dma_start3A_78 = arith.constant 2 : i32
    %dma_start3A_79 = arith.constant 0 : i32
    %dma_start3A_80 = arith.constant 0 : i32
    %dma_start3A_81 = tpu.memref_slice %arg12[%dma_start3A_78, %dma_start3A_79, %dma_start3A_80] : memref<4x104x128xf32, #tpu.memory_space<vmem>> -> memref<1x104x128xf32, #tpu.memory_space<vmem>>
    %dma_start3A_82 = tpu.memref_squeeze %dma_start3A_81 : memref<1x104x128xf32, #tpu.memory_space<vmem>> -> memref<104x128xf32, #tpu.memory_space<vmem>>
    %dma_start3A_83 = arith.constant 0 : i32
    %dma_start3A_84 = tpu.memref_slice %arg9[%dma_start3A_77, %dma_start3A_83] : memref<4x104xi32, #tpu.memory_space<vmem>> -> memref<1x104xi32, #tpu.memory_space<vmem>>
    %dma_start3A_85 = tpu.memref_squeeze %dma_start3A_84 : memref<1x104xi32, #tpu.memory_space<vmem>> -> memref<104xi32, #tpu.memory_space<vmem>>
    %dma_start3A_86 = arith.constant 0 : i32
    %dma_start3A_87 = arith.constant 0 : i32
    %dma_start3A_88 = tpu.memref_slice %arg2[%dma_start3A_86, %dma_start3A_87] : memref<26624x128xf32, #tpu.memory_space<hbm>> -> memref<26624x128xf32, #tpu.memory_space<hbm>>
    tpu.enqueue_indirect_dma source(%dma_start3A_88 : memref<26624x128xf32, #tpu.memory_space<hbm>>) target(%dma_start3A_82 : memref<104x128xf32, #tpu.memory_space<vmem>>) offsets(%dma_start3A_85 : memref<104xi32, #tpu.memory_space<vmem>>) semaphore(%arg17 : memref<!tpu.dma_semaphore, #tpu.memory_space<semaphore_mem>>)
    %dma_start3A_89 = arith.constant 2 : i32
    %dma_start3A_90 = arith.constant 2 : i32
    %dma_start3A_91 = arith.constant 0 : i32
    %dma_start3A_92 = arith.constant 0 : i32
    %dma_start3A_93 = tpu.memref_slice %arg13[%dma_start3A_90, %dma_start3A_91, %dma_start3A_92] : memref<4x104x128xf32, #tpu.memory_space<vmem>> -> memref<1x104x128xf32, #tpu.memory_space<vmem>>
    %dma_start3A_94 = tpu.memref_squeeze %dma_start3A_93 : memref<1x104x128xf32, #tpu.memory_space<vmem>> -> memref<104x128xf32, #tpu.memory_space<vmem>>
    %dma_start3A_95 = arith.constant 0 : i32
    %dma_start3A_96 = tpu.memref_slice %arg10[%dma_start3A_89, %dma_start3A_95] : memref<4x104xi32, #tpu.memory_space<vmem>> -> memref<1x104xi32, #tpu.memory_space<vmem>>
    %dma_start3A_97 = tpu.memref_squeeze %dma_start3A_96 : memref<1x104xi32, #tpu.memory_space<vmem>> -> memref<104xi32, #tpu.memory_space<vmem>>
    %dma_start3A_98 = arith.constant 0 : i32
    %dma_start3A_99 = arith.constant 0 : i32
    %dma_start3A_100 = tpu.memref_slice %arg3[%dma_start3A_98, %dma_start3A_99] : memref<29x128xf32, #tpu.memory_space<hbm>> -> memref<29x128xf32, #tpu.memory_space<hbm>>
    tpu.enqueue_indirect_dma source(%dma_start3A_100 : memref<29x128xf32, #tpu.memory_space<hbm>>) target(%dma_start3A_94 : memref<104x128xf32, #tpu.memory_space<vmem>>) offsets(%dma_start3A_97 : memref<104xi32, #tpu.memory_space<vmem>>) semaphore(%arg17 : memref<!tpu.dma_semaphore, #tpu.memory_space<semaphore_mem>>)
    %mul3A_101 = arith.constant 4 : i32
    %mul3A_102 = arith.muli %add3A, %mul3A_101 : i32
    %add3A_103 = arith.constant 3 : i32
    %add3A_104 = arith.addi %mul3A_102, %add3A_103 : i32
    %run_scoped3A_105 = arith.constant 3 : i32
    "tpu.region"() ({
      %run_scoped3A_390 = tpu.sem_alloc : memref<!tpu.dma_semaphore, #tpu.memory_space<semaphore_mem>>
      %dma_start3A_391 = arith.constant 0 : i32
      %dma_start3A_392 = tpu.memref_slice %arg9[%run_scoped3A_105, %dma_start3A_391] : memref<4x104xi32, #tpu.memory_space<vmem>> -> memref<1x104xi32, #tpu.memory_space<vmem>>
      %dma_start3A_393 = tpu.memref_squeeze %dma_start3A_392 : memref<1x104xi32, #tpu.memory_space<vmem>> -> memref<104xi32, #tpu.memory_space<vmem>>
      %dma_start3A_394 = arith.constant 0 : i32
      %dma_start3A_395 = tpu.memref_slice %arg5[%add3A_104, %dma_start3A_394] : memref<128x104xi32, #tpu.memory_space<hbm>> -> memref<1x104xi32, #tpu.memory_space<hbm>>
      %dma_start3A_396 = tpu.memref_squeeze %dma_start3A_395 : memref<1x104xi32, #tpu.memory_space<hbm>> -> memref<104xi32, #tpu.memory_space<hbm>>
      %dma_start3A_397 = arith.constant 0 : i32
      %dma_start3A_398 = tpu.memref_slice %arg9[%run_scoped3A_105, %dma_start3A_397] : memref<4x104xi32, #tpu.memory_space<vmem>> -> memref<1x104xi32, #tpu.memory_space<vmem>>
      %dma_start3A_399 = tpu.memref_squeeze %dma_start3A_398 : memref<1x104xi32, #tpu.memory_space<vmem>> -> memref<104xi32, #tpu.memory_space<vmem>>
      %dma_start3A_400 = arith.constant 0 : i32
      %dma_start3A_401 = tpu.memref_slice %arg5[%add3A_104, %dma_start3A_400] : memref<128x104xi32, #tpu.memory_space<hbm>> -> memref<1x104xi32, #tpu.memory_space<hbm>>
      %dma_start3A_402 = tpu.memref_squeeze %dma_start3A_401 : memref<1x104xi32, #tpu.memory_space<hbm>> -> memref<104xi32, #tpu.memory_space<hbm>>
      tpu.enqueue_dma source(%dma_start3A_402 : memref<104xi32, #tpu.memory_space<hbm>>) target(%dma_start3A_399 : memref<104xi32, #tpu.memory_space<vmem>>) target_semaphore(%run_scoped3A_390 : memref<!tpu.dma_semaphore, #tpu.memory_space<semaphore_mem>>)
      %dma_wait3A_403 = arith.constant 0 : i32
      %dma_wait3A_404 = tpu.memref_slice %arg9[%run_scoped3A_105, %dma_wait3A_403] : memref<4x104xi32, #tpu.memory_space<vmem>> -> memref<1x104xi32, #tpu.memory_space<vmem>>
      %dma_wait3A_405 = tpu.memref_squeeze %dma_wait3A_404 : memref<1x104xi32, #tpu.memory_space<vmem>> -> memref<104xi32, #tpu.memory_space<vmem>>
      %dma_wait3A_406 = arith.constant 0 : i32
      %dma_wait3A_407 = tpu.memref_slice %arg5[%add3A_104, %dma_wait3A_406] : memref<128x104xi32, #tpu.memory_space<hbm>> -> memref<1x104xi32, #tpu.memory_space<hbm>>
      %dma_wait3A_408 = tpu.memref_squeeze %dma_wait3A_407 : memref<1x104xi32, #tpu.memory_space<hbm>> -> memref<104xi32, #tpu.memory_space<hbm>>
      %dma_wait3A_409 = arith.constant 0 : i32
      %dma_wait3A_410 = tpu.memref_slice %arg9[%run_scoped3A_105, %dma_wait3A_409] : memref<4x104xi32, #tpu.memory_space<vmem>> -> memref<1x104xi32, #tpu.memory_space<vmem>>
      %dma_wait3A_411 = tpu.memref_squeeze %dma_wait3A_410 : memref<1x104xi32, #tpu.memory_space<vmem>> -> memref<104xi32, #tpu.memory_space<vmem>>
      %dma_wait3A_412 = arith.constant 0 : i32
      %dma_wait3A_413 = tpu.memref_slice %arg5[%add3A_104, %dma_wait3A_412] : memref<128x104xi32, #tpu.memory_space<hbm>> -> memref<1x104xi32, #tpu.memory_space<hbm>>
      %dma_wait3A_414 = tpu.memref_squeeze %dma_wait3A_413 : memref<1x104xi32, #tpu.memory_space<hbm>> -> memref<104xi32, #tpu.memory_space<hbm>>
      tpu.wait_dma2 semaphore(%run_scoped3A_390 : memref<!tpu.dma_semaphore, #tpu.memory_space<semaphore_mem>>) src(%dma_wait3A_414 : memref<104xi32, #tpu.memory_space<hbm>>) dst(%dma_wait3A_411 : memref<104xi32, #tpu.memory_space<vmem>>)
      tpu.yield
    }) : () -> ()
    %mul3A_106 = arith.constant 4 : i32
    %mul3A_107 = arith.muli %add3A, %mul3A_106 : i32
    %add3A_108 = arith.constant 3 : i32
    %add3A_109 = arith.addi %mul3A_107, %add3A_108 : i32
    %run_scoped3A_110 = arith.constant 3 : i32
    "tpu.region"() ({
      %run_scoped3A_390 = tpu.sem_alloc : memref<!tpu.dma_semaphore, #tpu.memory_space<semaphore_mem>>
      %dma_start3A_391 = arith.constant 0 : i32
      %dma_start3A_392 = tpu.memref_slice %arg10[%run_scoped3A_110, %dma_start3A_391] : memref<4x104xi32, #tpu.memory_space<vmem>> -> memref<1x104xi32, #tpu.memory_space<vmem>>
      %dma_start3A_393 = tpu.memref_squeeze %dma_start3A_392 : memref<1x104xi32, #tpu.memory_space<vmem>> -> memref<104xi32, #tpu.memory_space<vmem>>
      %dma_start3A_394 = arith.constant 0 : i32
      %dma_start3A_395 = tpu.memref_slice %arg6[%add3A_109, %dma_start3A_394] : memref<128x104xi32, #tpu.memory_space<hbm>> -> memref<1x104xi32, #tpu.memory_space<hbm>>
      %dma_start3A_396 = tpu.memref_squeeze %dma_start3A_395 : memref<1x104xi32, #tpu.memory_space<hbm>> -> memref<104xi32, #tpu.memory_space<hbm>>
      %dma_start3A_397 = arith.constant 0 : i32
      %dma_start3A_398 = tpu.memref_slice %arg10[%run_scoped3A_110, %dma_start3A_397] : memref<4x104xi32, #tpu.memory_space<vmem>> -> memref<1x104xi32, #tpu.memory_space<vmem>>
      %dma_start3A_399 = tpu.memref_squeeze %dma_start3A_398 : memref<1x104xi32, #tpu.memory_space<vmem>> -> memref<104xi32, #tpu.memory_space<vmem>>
      %dma_start3A_400 = arith.constant 0 : i32
      %dma_start3A_401 = tpu.memref_slice %arg6[%add3A_109, %dma_start3A_400] : memref<128x104xi32, #tpu.memory_space<hbm>> -> memref<1x104xi32, #tpu.memory_space<hbm>>
      %dma_start3A_402 = tpu.memref_squeeze %dma_start3A_401 : memref<1x104xi32, #tpu.memory_space<hbm>> -> memref<104xi32, #tpu.memory_space<hbm>>
      tpu.enqueue_dma source(%dma_start3A_402 : memref<104xi32, #tpu.memory_space<hbm>>) target(%dma_start3A_399 : memref<104xi32, #tpu.memory_space<vmem>>) target_semaphore(%run_scoped3A_390 : memref<!tpu.dma_semaphore, #tpu.memory_space<semaphore_mem>>)
      %dma_wait3A_403 = arith.constant 0 : i32
      %dma_wait3A_404 = tpu.memref_slice %arg10[%run_scoped3A_110, %dma_wait3A_403] : memref<4x104xi32, #tpu.memory_space<vmem>> -> memref<1x104xi32, #tpu.memory_space<vmem>>
      %dma_wait3A_405 = tpu.memref_squeeze %dma_wait3A_404 : memref<1x104xi32, #tpu.memory_space<vmem>> -> memref<104xi32, #tpu.memory_space<vmem>>
      %dma_wait3A_406 = arith.constant 0 : i32
      %dma_wait3A_407 = tpu.memref_slice %arg6[%add3A_109, %dma_wait3A_406] : memref<128x104xi32, #tpu.memory_space<hbm>> -> memref<1x104xi32, #tpu.memory_space<hbm>>
      %dma_wait3A_408 = tpu.memref_squeeze %dma_wait3A_407 : memref<1x104xi32, #tpu.memory_space<hbm>> -> memref<104xi32, #tpu.memory_space<hbm>>
      %dma_wait3A_409 = arith.constant 0 : i32
      %dma_wait3A_410 = tpu.memref_slice %arg10[%run_scoped3A_110, %dma_wait3A_409] : memref<4x104xi32, #tpu.memory_space<vmem>> -> memref<1x104xi32, #tpu.memory_space<vmem>>
      %dma_wait3A_411 = tpu.memref_squeeze %dma_wait3A_410 : memref<1x104xi32, #tpu.memory_space<vmem>> -> memref<104xi32, #tpu.memory_space<vmem>>
      %dma_wait3A_412 = arith.constant 0 : i32
      %dma_wait3A_413 = tpu.memref_slice %arg6[%add3A_109, %dma_wait3A_412] : memref<128x104xi32, #tpu.memory_space<hbm>> -> memref<1x104xi32, #tpu.memory_space<hbm>>
      %dma_wait3A_414 = tpu.memref_squeeze %dma_wait3A_413 : memref<1x104xi32, #tpu.memory_space<hbm>> -> memref<104xi32, #tpu.memory_space<hbm>>
      tpu.wait_dma2 semaphore(%run_scoped3A_390 : memref<!tpu.dma_semaphore, #tpu.memory_space<semaphore_mem>>) src(%dma_wait3A_414 : memref<104xi32, #tpu.memory_space<hbm>>) dst(%dma_wait3A_411 : memref<104xi32, #tpu.memory_space<vmem>>)
      tpu.yield
    }) : () -> ()
    %dma_start3A_111 = arith.constant 3 : i32
    %dma_start3A_112 = arith.constant 3 : i32
    %dma_start3A_113 = arith.constant 0 : i32
    %dma_start3A_114 = arith.constant 0 : i32
    %dma_start3A_115 = tpu.memref_slice %arg12[%dma_start3A_112, %dma_start3A_113, %dma_start3A_114] : memref<4x104x128xf32, #tpu.memory_space<vmem>> -> memref<1x104x128xf32, #tpu.memory_space<vmem>>
    %dma_start3A_116 = tpu.memref_squeeze %dma_start3A_115 : memref<1x104x128xf32, #tpu.memory_space<vmem>> -> memref<104x128xf32, #tpu.memory_space<vmem>>
    %dma_start3A_117 = arith.constant 0 : i32
    %dma_start3A_118 = tpu.memref_slice %arg9[%dma_start3A_111, %dma_start3A_117] : memref<4x104xi32, #tpu.memory_space<vmem>> -> memref<1x104xi32, #tpu.memory_space<vmem>>
    %dma_start3A_119 = tpu.memref_squeeze %dma_start3A_118 : memref<1x104xi32, #tpu.memory_space<vmem>> -> memref<104xi32, #tpu.memory_space<vmem>>
    %dma_start3A_120 = arith.constant 0 : i32
    %dma_start3A_121 = arith.constant 0 : i32
    %dma_start3A_122 = tpu.memref_slice %arg2[%dma_start3A_120, %dma_start3A_121] : memref<26624x128xf32, #tpu.memory_space<hbm>> -> memref<26624x128xf32, #tpu.memory_space<hbm>>
    tpu.enqueue_indirect_dma source(%dma_start3A_122 : memref<26624x128xf32, #tpu.memory_space<hbm>>) target(%dma_start3A_116 : memref<104x128xf32, #tpu.memory_space<vmem>>) offsets(%dma_start3A_119 : memref<104xi32, #tpu.memory_space<vmem>>) semaphore(%arg17 : memref<!tpu.dma_semaphore, #tpu.memory_space<semaphore_mem>>)
    %dma_start3A_123 = arith.constant 3 : i32
    %dma_start3A_124 = arith.constant 3 : i32
    %dma_start3A_125 = arith.constant 0 : i32
    %dma_start3A_126 = arith.constant 0 : i32
    %dma_start3A_127 = tpu.memref_slice %arg13[%dma_start3A_124, %dma_start3A_125, %dma_start3A_126] : memref<4x104x128xf32, #tpu.memory_space<vmem>> -> memref<1x104x128xf32, #tpu.memory_space<vmem>>
    %dma_start3A_128 = tpu.memref_squeeze %dma_start3A_127 : memref<1x104x128xf32, #tpu.memory_space<vmem>> -> memref<104x128xf32, #tpu.memory_space<vmem>>
    %dma_start3A_129 = arith.constant 0 : i32
    %dma_start3A_130 = tpu.memref_slice %arg10[%dma_start3A_123, %dma_start3A_129] : memref<4x104xi32, #tpu.memory_space<vmem>> -> memref<1x104xi32, #tpu.memory_space<vmem>>
    %dma_start3A_131 = tpu.memref_squeeze %dma_start3A_130 : memref<1x104xi32, #tpu.memory_space<vmem>> -> memref<104xi32, #tpu.memory_space<vmem>>
    %dma_start3A_132 = arith.constant 0 : i32
    %dma_start3A_133 = arith.constant 0 : i32
    %dma_start3A_134 = tpu.memref_slice %arg3[%dma_start3A_132, %dma_start3A_133] : memref<29x128xf32, #tpu.memory_space<hbm>> -> memref<29x128xf32, #tpu.memory_space<hbm>>
    tpu.enqueue_indirect_dma source(%dma_start3A_134 : memref<29x128xf32, #tpu.memory_space<hbm>>) target(%dma_start3A_128 : memref<104x128xf32, #tpu.memory_space<vmem>>) offsets(%dma_start3A_131 : memref<104xi32, #tpu.memory_space<vmem>>) semaphore(%arg17 : memref<!tpu.dma_semaphore, #tpu.memory_space<semaphore_mem>>)
    "tpu.region"() ({
      %run_scoped3A_390 = tpu.sem_alloc : memref<!tpu.dma_semaphore, #tpu.memory_space<semaphore_mem>>
      tpu.enqueue_dma source(%arg4 : memref<1x128xf32, #tpu.memory_space<hbm>>) target(%arg15 : memref<1x128xf32, #tpu.memory_space<vmem>>) target_semaphore(%run_scoped3A_390 : memref<!tpu.dma_semaphore, #tpu.memory_space<semaphore_mem>>)
      tpu.wait_dma2 semaphore(%run_scoped3A_390 : memref<!tpu.dma_semaphore, #tpu.memory_space<semaphore_mem>>) src(%arg4 : memref<1x128xf32, #tpu.memory_space<hbm>>) dst(%arg15 : memref<1x128xf32, #tpu.memory_space<vmem>>)
      tpu.yield
    }) : () -> ()
    "tpu.region"() ({
      %run_scoped3A_390 = tpu.sem_alloc : memref<!tpu.dma_semaphore, #tpu.memory_space<semaphore_mem>>
      %dma_start3A_391 = arith.constant 0 : i32
      %dma_start3A_392 = arith.constant 0 : i32
      %dma_start3A_393 = tpu.memref_slice %arg3[%dma_start3A_391, %dma_start3A_392] : memref<29x128xf32, #tpu.memory_space<hbm>> -> memref<1x128xf32, #tpu.memory_space<hbm>>
      %dma_start3A_394 = arith.constant 0 : i32
      %dma_start3A_395 = arith.constant 0 : i32
      %dma_start3A_396 = tpu.memref_slice %arg3[%dma_start3A_394, %dma_start3A_395] : memref<29x128xf32, #tpu.memory_space<hbm>> -> memref<1x128xf32, #tpu.memory_space<hbm>>
      tpu.enqueue_dma source(%dma_start3A_396 : memref<1x128xf32, #tpu.memory_space<hbm>>) target(%arg16 : memref<1x128xf32, #tpu.memory_space<vmem>>) target_semaphore(%run_scoped3A_390 : memref<!tpu.dma_semaphore, #tpu.memory_space<semaphore_mem>>)
      %dma_wait3A_397 = arith.constant 0 : i32
      %dma_wait3A_398 = arith.constant 0 : i32
      %dma_wait3A_399 = tpu.memref_slice %arg3[%dma_wait3A_397, %dma_wait3A_398] : memref<29x128xf32, #tpu.memory_space<hbm>> -> memref<1x128xf32, #tpu.memory_space<hbm>>
      %dma_wait3A_400 = arith.constant 0 : i32
      %dma_wait3A_401 = arith.constant 0 : i32
      %dma_wait3A_402 = tpu.memref_slice %arg3[%dma_wait3A_400, %dma_wait3A_401] : memref<29x128xf32, #tpu.memory_space<hbm>> -> memref<1x128xf32, #tpu.memory_space<hbm>>
      tpu.wait_dma2 semaphore(%run_scoped3A_390 : memref<!tpu.dma_semaphore, #tpu.memory_space<semaphore_mem>>) src(%dma_wait3A_402 : memref<1x128xf32, #tpu.memory_space<hbm>>) dst(%arg16 : memref<1x128xf32, #tpu.memory_space<vmem>>)
      tpu.yield
    }) : () -> ()
    %scan3A = arith.constant 0 : i32
    %scan3A_135 = arith.constant 0 : i32
    %scan3A_136 = arith.constant 32 : i32
    %scan3A_137 = arith.addi %scan3A_135, %scan3A_136 : i32
    %scan3A_138 = arith.constant 1 : i32
    %scan3A_139 = scf.for %scan3A_390 = %scan3A_135 to %scan3A_137 step %scan3A_138 iter_args(%scan3A_391 = %scan3A) -> (i32)  : i32 {
      %get3A = arith.constant 0 : i32
      %get3A_392 = arith.index_cast %get3A : i32 to index
      %get3A_393 = arith.constant 0 : index
      %get3A_394 = tpu.vector_load %arg15[%get3A_392, %get3A_393] {strides = array<i32>} : memref<1x128xf32, #tpu.memory_space<vmem>>, vector<1x16xf32>,
      %get3A_395 = vector.shape_cast %get3A_394 : vector<1x16xf32> to vector<16xf32>
      %get3A_396 = arith.constant 0 : i32
      %get3A_397 = arith.index_cast %get3A_396 : i32 to index
      %get3A_398 = arith.constant 0 : index
      %get3A_399 = tpu.vector_load %arg16[%get3A_397, %get3A_398] {strides = array<i32>} : memref<1x128xf32, #tpu.memory_space<vmem>>, vector<1x16xf32>,
      %get3A_400 = vector.shape_cast %get3A_399 : vector<1x16xf32> to vector<16xf32>
      %add3A_401 = arith.addf %get3A_395, %get3A_400 : vector<16xf32>
      %swap3A = arith.index_cast %scan3A_390 : i32 to index
      %swap3A_402 = arith.constant 0 : index
      %swap3A_403 = tpu.vector_load %arg14[%swap3A, %swap3A_402] {strides = array<i32>} : memref<32x128xf32, #tpu.memory_space<vmem>>, vector<1x16xf32>,
      %swap3A_404 = vector.shape_cast %swap3A_403 : vector<1x16xf32> to vector<16xf32>
      %swap3A_405 = vector.shape_cast %add3A_401 : vector<16xf32> to vector<1x16xf32>
      tpu.vector_store %arg14[%swap3A, %swap3A_402], %swap3A_405 {strides = array<i32>} : memref<32x128xf32, #tpu.memory_space<vmem>>, vector<1x16xf32>,
      %get3A_406 = arith.constant 0 : i32
      %get3A_407 = arith.index_cast %get3A_406 : i32 to index
      %get3A_408 = arith.constant 16 : index
      %get3A_409 = tpu.vector_load %arg15[%get3A_407, %get3A_408] {strides = array<i32>} : memref<1x128xf32, #tpu.memory_space<vmem>>, vector<1x16xf32>,
      %get3A_410 = vector.shape_cast %get3A_409 : vector<1x16xf32> to vector<16xf32>
      %get3A_411 = arith.constant 0 : i32
      %get3A_412 = arith.index_cast %get3A_411 : i32 to index
      %get3A_413 = arith.constant 16 : index
      %get3A_414 = tpu.vector_load %arg16[%get3A_412, %get3A_413] {strides = array<i32>} : memref<1x128xf32, #tpu.memory_space<vmem>>, vector<1x16xf32>,
      %get3A_415 = vector.shape_cast %get3A_414 : vector<1x16xf32> to vector<16xf32>
      %add3A_416 = arith.addf %get3A_410, %get3A_415 : vector<16xf32>
      %swap3A_417 = arith.index_cast %scan3A_390 : i32 to index
      %swap3A_418 = arith.constant 16 : index
      %swap3A_419 = tpu.vector_load %arg14[%swap3A_417, %swap3A_418] {strides = array<i32>} : memref<32x128xf32, #tpu.memory_space<vmem>>, vector<1x16xf32>,
      %swap3A_420 = vector.shape_cast %swap3A_419 : vector<1x16xf32> to vector<16xf32>
      %swap3A_421 = vector.shape_cast %add3A_416 : vector<16xf32> to vector<1x16xf32>
      tpu.vector_store %arg14[%swap3A_417, %swap3A_418], %swap3A_421 {strides = array<i32>} : memref<32x128xf32, #tpu.memory_space<vmem>>, vector<1x16xf32>,
      %get3A_422 = arith.constant 0 : i32
      %get3A_423 = arith.index_cast %get3A_422 : i32 to index
      %get3A_424 = arith.constant 32 : index
      %get3A_425 = tpu.vector_load %arg15[%get3A_423, %get3A_424] {strides = array<i32>} : memref<1x128xf32, #tpu.memory_space<vmem>>, vector<1x16xf32>,
      %get3A_426 = vector.shape_cast %get3A_425 : vector<1x16xf32> to vector<16xf32>
      %get3A_427 = arith.constant 0 : i32
      %get3A_428 = arith.index_cast %get3A_427 : i32 to index
      %get3A_429 = arith.constant 32 : index
      %get3A_430 = tpu.vector_load %arg16[%get3A_428, %get3A_429] {strides = array<i32>} : memref<1x128xf32, #tpu.memory_space<vmem>>, vector<1x16xf32>,
      %get3A_431 = vector.shape_cast %get3A_430 : vector<1x16xf32> to vector<16xf32>
      %add3A_432 = arith.addf %get3A_426, %get3A_431 : vector<16xf32>
      %swap3A_433 = arith.index_cast %scan3A_390 : i32 to index
      %swap3A_434 = arith.constant 32 : index
      %swap3A_435 = tpu.vector_load %arg14[%swap3A_433, %swap3A_434] {strides = array<i32>} : memref<32x128xf32, #tpu.memory_space<vmem>>, vector<1x16xf32>,
      %swap3A_436 = vector.shape_cast %swap3A_435 : vector<1x16xf32> to vector<16xf32>
      %swap3A_437 = vector.shape_cast %add3A_432 : vector<16xf32> to vector<1x16xf32>
      tpu.vector_store %arg14[%swap3A_433, %swap3A_434], %swap3A_437 {strides = array<i32>} : memref<32x128xf32, #tpu.memory_space<vmem>>, vector<1x16xf32>,
      %get3A_438 = arith.constant 0 : i32
      %get3A_439 = arith.index_cast %get3A_438 : i32 to index
      %get3A_440 = arith.constant 48 : index
      %get3A_441 = tpu.vector_load %arg15[%get3A_439, %get3A_440] {strides = array<i32>} : memref<1x128xf32, #tpu.memory_space<vmem>>, vector<1x16xf32>,
      %get3A_442 = vector.shape_cast %get3A_441 : vector<1x16xf32> to vector<16xf32>
      %get3A_443 = arith.constant 0 : i32
      %get3A_444 = arith.index_cast %get3A_443 : i32 to index
      %get3A_445 = arith.constant 48 : index
      %get3A_446 = tpu.vector_load %arg16[%get3A_444, %get3A_445] {strides = array<i32>} : memref<1x128xf32, #tpu.memory_space<vmem>>, vector<1x16xf32>,
      %get3A_447 = vector.shape_cast %get3A_446 : vector<1x16xf32> to vector<16xf32>
      %add3A_448 = arith.addf %get3A_442, %get3A_447 : vector<16xf32>
      %swap3A_449 = arith.index_cast %scan3A_390 : i32 to index
      %swap3A_450 = arith.constant 48 : index
      %swap3A_451 = tpu.vector_load %arg14[%swap3A_449, %swap3A_450] {strides = array<i32>} : memref<32x128xf32, #tpu.memory_space<vmem>>, vector<1x16xf32>,
      %swap3A_452 = vector.shape_cast %swap3A_451 : vector<1x16xf32> to vector<16xf32>
      %swap3A_453 = vector.shape_cast %add3A_448 : vector<16xf32> to vector<1x16xf32>
      tpu.vector_store %arg14[%swap3A_449, %swap3A_450], %swap3A_453 {strides = array<i32>} : memref<32x128xf32, #tpu.memory_space<vmem>>, vector<1x16xf32>,
      %get3A_454 = arith.constant 0 : i32
      %get3A_455 = arith.index_cast %get3A_454 : i32 to index
      %get3A_456 = arith.constant 64 : index
      %get3A_457 = tpu.vector_load %arg15[%get3A_455, %get3A_456] {strides = array<i32>} : memref<1x128xf32, #tpu.memory_space<vmem>>, vector<1x16xf32>,
      %get3A_458 = vector.shape_cast %get3A_457 : vector<1x16xf32> to vector<16xf32>
      %get3A_459 = arith.constant 0 : i32
      %get3A_460 = arith.index_cast %get3A_459 : i32 to index
      %get3A_461 = arith.constant 64 : index
      %get3A_462 = tpu.vector_load %arg16[%get3A_460, %get3A_461] {strides = array<i32>} : memref<1x128xf32, #tpu.memory_space<vmem>>, vector<1x16xf32>,
      %get3A_463 = vector.shape_cast %get3A_462 : vector<1x16xf32> to vector<16xf32>
      %add3A_464 = arith.addf %get3A_458, %get3A_463 : vector<16xf32>
      %swap3A_465 = arith.index_cast %scan3A_390 : i32 to index
      %swap3A_466 = arith.constant 64 : index
      %swap3A_467 = tpu.vector_load %arg14[%swap3A_465, %swap3A_466] {strides = array<i32>} : memref<32x128xf32, #tpu.memory_space<vmem>>, vector<1x16xf32>,
      %swap3A_468 = vector.shape_cast %swap3A_467 : vector<1x16xf32> to vector<16xf32>
      %swap3A_469 = vector.shape_cast %add3A_464 : vector<16xf32> to vector<1x16xf32>
      tpu.vector_store %arg14[%swap3A_465, %swap3A_466], %swap3A_469 {strides = array<i32>} : memref<32x128xf32, #tpu.memory_space<vmem>>, vector<1x16xf32>,
      %get3A_470 = arith.constant 0 : i32
      %get3A_471 = arith.index_cast %get3A_470 : i32 to index
      %get3A_472 = arith.constant 80 : index
      %get3A_473 = tpu.vector_load %arg15[%get3A_471, %get3A_472] {strides = array<i32>} : memref<1x128xf32, #tpu.memory_space<vmem>>, vector<1x16xf32>,
      %get3A_474 = vector.shape_cast %get3A_473 : vector<1x16xf32> to vector<16xf32>
      %get3A_475 = arith.constant 0 : i32
      %get3A_476 = arith.index_cast %get3A_475 : i32 to index
      %get3A_477 = arith.constant 80 : index
      %get3A_478 = tpu.vector_load %arg16[%get3A_476, %get3A_477] {strides = array<i32>} : memref<1x128xf32, #tpu.memory_space<vmem>>, vector<1x16xf32>,
      %get3A_479 = vector.shape_cast %get3A_478 : vector<1x16xf32> to vector<16xf32>
      %add3A_480 = arith.addf %get3A_474, %get3A_479 : vector<16xf32>
      %swap3A_481 = arith.index_cast %scan3A_390 : i32 to index
      %swap3A_482 = arith.constant 80 : index
      %swap3A_483 = tpu.vector_load %arg14[%swap3A_481, %swap3A_482] {strides = array<i32>} : memref<32x128xf32, #tpu.memory_space<vmem>>, vector<1x16xf32>,
      %swap3A_484 = vector.shape_cast %swap3A_483 : vector<1x16xf32> to vector<16xf32>
      %swap3A_485 = vector.shape_cast %add3A_480 : vector<16xf32> to vector<1x16xf32>
      tpu.vector_store %arg14[%swap3A_481, %swap3A_482], %swap3A_485 {strides = array<i32>} : memref<32x128xf32, #tpu.memory_space<vmem>>, vector<1x16xf32>,
      %get3A_486 = arith.constant 0 : i32
      %get3A_487 = arith.index_cast %get3A_486 : i32 to index
      %get3A_488 = arith.constant 96 : index
      %get3A_489 = tpu.vector_load %arg15[%get3A_487, %get3A_488] {strides = array<i32>} : memref<1x128xf32, #tpu.memory_space<vmem>>, vector<1x16xf32>,
      %get3A_490 = vector.shape_cast %get3A_489 : vector<1x16xf32> to vector<16xf32>
      %get3A_491 = arith.constant 0 : i32
      %get3A_492 = arith.index_cast %get3A_491 : i32 to index
      %get3A_493 = arith.constant 96 : index
      %get3A_494 = tpu.vector_load %arg16[%get3A_492, %get3A_493] {strides = array<i32>} : memref<1x128xf32, #tpu.memory_space<vmem>>, vector<1x16xf32>,
      %get3A_495 = vector.shape_cast %get3A_494 : vector<1x16xf32> to vector<16xf32>
      %add3A_496 = arith.addf %get3A_490, %get3A_495 : vector<16xf32>
      %swap3A_497 = arith.index_cast %scan3A_390 : i32 to index
      %swap3A_498 = arith.constant 96 : index
      %swap3A_499 = tpu.vector_load %arg14[%swap3A_497, %swap3A_498] {strides = array<i32>} : memref<32x128xf32, #tpu.memory_space<vmem>>, vector<1x16xf32>,
      %swap3A_500 = vector.shape_cast %swap3A_499 : vector<1x16xf32> to vector<16xf32>
      %swap3A_501 = vector.shape_cast %add3A_496 : vector<16xf32> to vector<1x16xf32>
      tpu.vector_store %arg14[%swap3A_497, %swap3A_498], %swap3A_501 {strides = array<i32>} : memref<32x128xf32, #tpu.memory_space<vmem>>, vector<1x16xf32>,
      %get3A_502 = arith.constant 0 : i32
      %get3A_503 = arith.index_cast %get3A_502 : i32 to index
      %get3A_504 = arith.constant 112 : index
      %get3A_505 = tpu.vector_load %arg15[%get3A_503, %get3A_504] {strides = array<i32>} : memref<1x128xf32, #tpu.memory_space<vmem>>, vector<1x16xf32>,
      %get3A_506 = vector.shape_cast %get3A_505 : vector<1x16xf32> to vector<16xf32>
      %get3A_507 = arith.constant 0 : i32
      %get3A_508 = arith.index_cast %get3A_507 : i32 to index
      %get3A_509 = arith.constant 112 : index
      %get3A_510 = tpu.vector_load %arg16[%get3A_508, %get3A_509] {strides = array<i32>} : memref<1x128xf32, #tpu.memory_space<vmem>>, vector<1x16xf32>,
      %get3A_511 = vector.shape_cast %get3A_510 : vector<1x16xf32> to vector<16xf32>
      %add3A_512 = arith.addf %get3A_506, %get3A_511 : vector<16xf32>
      %swap3A_513 = arith.index_cast %scan3A_390 : i32 to index
      %swap3A_514 = arith.constant 112 : index
      %swap3A_515 = tpu.vector_load %arg14[%swap3A_513, %swap3A_514] {strides = array<i32>} : memref<32x128xf32, #tpu.memory_space<vmem>>, vector<1x16xf32>,
      %swap3A_516 = vector.shape_cast %swap3A_515 : vector<1x16xf32> to vector<16xf32>
      %swap3A_517 = vector.shape_cast %add3A_512 : vector<16xf32> to vector<1x16xf32>
      tpu.vector_store %arg14[%swap3A_513, %swap3A_514], %swap3A_517 {strides = array<i32>} : memref<32x128xf32, #tpu.memory_space<vmem>>, vector<1x16xf32>,
      %scan3A_518 = arith.constant 0 : i32
      scf.yield %scan3A_518 : i32
    }
    %scan3A_140 = arith.constant 32 : i32
    %mul3A_141 = arith.constant 32 : i32
    %mul3A_142 = arith.muli %add3A, %mul3A_141 : i32
    %dma_start3A_143 = arith.constant 0 : i32
    %dma_start3A_144 = tpu.memref_slice %arg8[%mul3A_142, %dma_start3A_143] : memref<14336x128xf32, #tpu.memory_space<hbm>> -> memref<32x128xf32, #tpu.memory_space<hbm>>
    %dma_start3A_145 = arith.constant 0 : i32
    %dma_start3A_146 = tpu.memref_slice %arg8[%mul3A_142, %dma_start3A_145] : memref<14336x128xf32, #tpu.memory_space<hbm>> -> memref<32x128xf32, #tpu.memory_space<hbm>>
    tpu.enqueue_dma source(%arg14 : memref<32x128xf32, #tpu.memory_space<vmem>>) target(%dma_start3A_146 : memref<32x128xf32, #tpu.memory_space<hbm>>) target_semaphore(%arg18 : memref<!tpu.dma_semaphore, #tpu.memory_space<semaphore_mem>>)
    %dma_wait3A = arith.constant 0 : i32
    %dma_wait3A_147 = arith.constant 0 : i32
    %dma_wait3A_148 = arith.constant 0 : i32
    %dma_wait3A_149 = arith.constant 0 : i32
    %dma_wait3A_150 = tpu.memref_slice %arg12[%dma_wait3A_147, %dma_wait3A_148, %dma_wait3A_149] : memref<4x104x128xf32, #tpu.memory_space<vmem>> -> memref<1x104x128xf32, #tpu.memory_space<vmem>>
    %dma_wait3A_151 = tpu.memref_squeeze %dma_wait3A_150 : memref<1x104x128xf32, #tpu.memory_space<vmem>> -> memref<104x128xf32, #tpu.memory_space<vmem>>
    %dma_wait3A_152 = arith.constant 0 : i32
    %dma_wait3A_153 = tpu.memref_slice %arg9[%dma_wait3A, %dma_wait3A_152] : memref<4x104xi32, #tpu.memory_space<vmem>> -> memref<1x104xi32, #tpu.memory_space<vmem>>
    %dma_wait3A_154 = tpu.memref_squeeze %dma_wait3A_153 : memref<1x104xi32, #tpu.memory_space<vmem>> -> memref<104xi32, #tpu.memory_space<vmem>>
    %dma_wait3A_155 = arith.constant 0 : i32
    %dma_wait3A_156 = arith.constant 0 : i32
    %dma_wait3A_157 = tpu.memref_slice %arg2[%dma_wait3A_155, %dma_wait3A_156] : memref<26624x128xf32, #tpu.memory_space<hbm>> -> memref<26624x128xf32, #tpu.memory_space<hbm>>
    tpu.wait_indirect_dma semaphore(%arg17 : memref<!tpu.dma_semaphore, #tpu.memory_space<semaphore_mem>>) src(%dma_wait3A_157 : memref<26624x128xf32, #tpu.memory_space<hbm>>) dst(%dma_wait3A_151 : memref<104x128xf32, #tpu.memory_space<vmem>>)
    %dma_wait3A_158 = arith.constant 0 : i32
    %dma_wait3A_159 = arith.constant 0 : i32
    %dma_wait3A_160 = arith.constant 0 : i32
    %dma_wait3A_161 = arith.constant 0 : i32
    %dma_wait3A_162 = tpu.memref_slice %arg13[%dma_wait3A_159, %dma_wait3A_160, %dma_wait3A_161] : memref<4x104x128xf32, #tpu.memory_space<vmem>> -> memref<1x104x128xf32, #tpu.memory_space<vmem>>
    %dma_wait3A_163 = tpu.memref_squeeze %dma_wait3A_162 : memref<1x104x128xf32, #tpu.memory_space<vmem>> -> memref<104x128xf32, #tpu.memory_space<vmem>>
    %dma_wait3A_164 = arith.constant 0 : i32
    %dma_wait3A_165 = tpu.memref_slice %arg10[%dma_wait3A_158, %dma_wait3A_164] : memref<4x104xi32, #tpu.memory_space<vmem>> -> memref<1x104xi32, #tpu.memory_space<vmem>>
    %dma_wait3A_166 = tpu.memref_squeeze %dma_wait3A_165 : memref<1x104xi32, #tpu.memory_space<vmem>> -> memref<104xi32, #tpu.memory_space<vmem>>
    %dma_wait3A_167 = arith.constant 0 : i32
    %dma_wait3A_168 = arith.constant 0 : i32
    %dma_wait3A_169 = tpu.memref_slice %arg3[%dma_wait3A_167, %dma_wait3A_168] : memref<29x128xf32, #tpu.memory_space<hbm>> -> memref<29x128xf32, #tpu.memory_space<hbm>>
    tpu.wait_indirect_dma semaphore(%arg17 : memref<!tpu.dma_semaphore, #tpu.memory_space<semaphore_mem>>) src(%dma_wait3A_169 : memref<29x128xf32, #tpu.memory_space<hbm>>) dst(%dma_wait3A_163 : memref<104x128xf32, #tpu.memory_space<vmem>>)
    %dma_wait3A_170 = arith.constant 1 : i32
    %dma_wait3A_171 = arith.constant 1 : i32
    %dma_wait3A_172 = arith.constant 0 : i32
    %dma_wait3A_173 = arith.constant 0 : i32
    %dma_wait3A_174 = tpu.memref_slice %arg12[%dma_wait3A_171, %dma_wait3A_172, %dma_wait3A_173] : memref<4x104x128xf32, #tpu.memory_space<vmem>> -> memref<1x104x128xf32, #tpu.memory_space<vmem>>
    %dma_wait3A_175 = tpu.memref_squeeze %dma_wait3A_174 : memref<1x104x128xf32, #tpu.memory_space<vmem>> -> memref<104x128xf32, #tpu.memory_space<vmem>>
    %dma_wait3A_176 = arith.constant 0 : i32
    %dma_wait3A_177 = tpu.memref_slice %arg9[%dma_wait3A_170, %dma_wait3A_176] : memref<4x104xi32, #tpu.memory_space<vmem>> -> memref<1x104xi32, #tpu.memory_space<vmem>>
    %dma_wait3A_178 = tpu.memref_squeeze %dma_wait3A_177 : memref<1x104xi32, #tpu.memory_space<vmem>> -> memref<104xi32, #tpu.memory_space<vmem>>
    %dma_wait3A_179 = arith.constant 0 : i32
    %dma_wait3A_180 = arith.constant 0 : i32
    %dma_wait3A_181 = tpu.memref_slice %arg2[%dma_wait3A_179, %dma_wait3A_180] : memref<26624x128xf32, #tpu.memory_space<hbm>> -> memref<26624x128xf32, #tpu.memory_space<hbm>>
    tpu.wait_indirect_dma semaphore(%arg17 : memref<!tpu.dma_semaphore, #tpu.memory_space<semaphore_mem>>) src(%dma_wait3A_181 : memref<26624x128xf32, #tpu.memory_space<hbm>>) dst(%dma_wait3A_175 : memref<104x128xf32, #tpu.memory_space<vmem>>)
    %dma_wait3A_182 = arith.constant 1 : i32
    %dma_wait3A_183 = arith.constant 1 : i32
    %dma_wait3A_184 = arith.constant 0 : i32
    %dma_wait3A_185 = arith.constant 0 : i32
    %dma_wait3A_186 = tpu.memref_slice %arg13[%dma_wait3A_183, %dma_wait3A_184, %dma_wait3A_185] : memref<4x104x128xf32, #tpu.memory_space<vmem>> -> memref<1x104x128xf32, #tpu.memory_space<vmem>>
    %dma_wait3A_187 = tpu.memref_squeeze %dma_wait3A_186 : memref<1x104x128xf32, #tpu.memory_space<vmem>> -> memref<104x128xf32, #tpu.memory_space<vmem>>
    %dma_wait3A_188 = arith.constant 0 : i32
    %dma_wait3A_189 = tpu.memref_slice %arg10[%dma_wait3A_182, %dma_wait3A_188] : memref<4x104xi32, #tpu.memory_space<vmem>> -> memref<1x104xi32, #tpu.memory_space<vmem>>
    %dma_wait3A_190 = tpu.memref_squeeze %dma_wait3A_189 : memref<1x104xi32, #tpu.memory_space<vmem>> -> memref<104xi32, #tpu.memory_space<vmem>>
    %dma_wait3A_191 = arith.constant 0 : i32
    %dma_wait3A_192 = arith.constant 0 : i32
    %dma_wait3A_193 = tpu.memref_slice %arg3[%dma_wait3A_191, %dma_wait3A_192] : memref<29x128xf32, #tpu.memory_space<hbm>> -> memref<29x128xf32, #tpu.memory_space<hbm>>
    tpu.wait_indirect_dma semaphore(%arg17 : memref<!tpu.dma_semaphore, #tpu.memory_space<semaphore_mem>>) src(%dma_wait3A_193 : memref<29x128xf32, #tpu.memory_space<hbm>>) dst(%dma_wait3A_187 : memref<104x128xf32, #tpu.memory_space<vmem>>)
    %dma_wait3A_194 = arith.constant 2 : i32
    %dma_wait3A_195 = arith.constant 2 : i32
    %dma_wait3A_196 = arith.constant 0 : i32
    %dma_wait3A_197 = arith.constant 0 : i32
    %dma_wait3A_198 = tpu.memref_slice %arg12[%dma_wait3A_195, %dma_wait3A_196, %dma_wait3A_197] : memref<4x104x128xf32, #tpu.memory_space<vmem>> -> memref<1x104x128xf32, #tpu.memory_space<vmem>>
    %dma_wait3A_199 = tpu.memref_squeeze %dma_wait3A_198 : memref<1x104x128xf32, #tpu.memory_space<vmem>> -> memref<104x128xf32, #tpu.memory_space<vmem>>
    %dma_wait3A_200 = arith.constant 0 : i32
    %dma_wait3A_201 = tpu.memref_slice %arg9[%dma_wait3A_194, %dma_wait3A_200] : memref<4x104xi32, #tpu.memory_space<vmem>> -> memref<1x104xi32, #tpu.memory_space<vmem>>
    %dma_wait3A_202 = tpu.memref_squeeze %dma_wait3A_201 : memref<1x104xi32, #tpu.memory_space<vmem>> -> memref<104xi32, #tpu.memory_space<vmem>>
    %dma_wait3A_203 = arith.constant 0 : i32
    %dma_wait3A_204 = arith.constant 0 : i32
    %dma_wait3A_205 = tpu.memref_slice %arg2[%dma_wait3A_203, %dma_wait3A_204] : memref<26624x128xf32, #tpu.memory_space<hbm>> -> memref<26624x128xf32, #tpu.memory_space<hbm>>
    tpu.wait_indirect_dma semaphore(%arg17 : memref<!tpu.dma_semaphore, #tpu.memory_space<semaphore_mem>>) src(%dma_wait3A_205 : memref<26624x128xf32, #tpu.memory_space<hbm>>) dst(%dma_wait3A_199 : memref<104x128xf32, #tpu.memory_space<vmem>>)
    %dma_wait3A_206 = arith.constant 2 : i32
    %dma_wait3A_207 = arith.constant 2 : i32
    %dma_wait3A_208 = arith.constant 0 : i32
    %dma_wait3A_209 = arith.constant 0 : i32
    %dma_wait3A_210 = tpu.memref_slice %arg13[%dma_wait3A_207, %dma_wait3A_208, %dma_wait3A_209] : memref<4x104x128xf32, #tpu.memory_space<vmem>> -> memref<1x104x128xf32, #tpu.memory_space<vmem>>
    %dma_wait3A_211 = tpu.memref_squeeze %dma_wait3A_210 : memref<1x104x128xf32, #tpu.memory_space<vmem>> -> memref<104x128xf32, #tpu.memory_space<vmem>>
    %dma_wait3A_212 = arith.constant 0 : i32
    %dma_wait3A_213 = tpu.memref_slice %arg10[%dma_wait3A_206, %dma_wait3A_212] : memref<4x104xi32, #tpu.memory_space<vmem>> -> memref<1x104xi32, #tpu.memory_space<vmem>>
    %dma_wait3A_214 = tpu.memref_squeeze %dma_wait3A_213 : memref<1x104xi32, #tpu.memory_space<vmem>> -> memref<104xi32, #tpu.memory_space<vmem>>
    %dma_wait3A_215 = arith.constant 0 : i32
    %dma_wait3A_216 = arith.constant 0 : i32
    %dma_wait3A_217 = tpu.memref_slice %arg3[%dma_wait3A_215, %dma_wait3A_216] : memref<29x128xf32, #tpu.memory_space<hbm>> -> memref<29x128xf32, #tpu.memory_space<hbm>>
    tpu.wait_indirect_dma semaphore(%arg17 : memref<!tpu.dma_semaphore, #tpu.memory_space<semaphore_mem>>) src(%dma_wait3A_217 : memref<29x128xf32, #tpu.memory_space<hbm>>) dst(%dma_wait3A_211 : memref<104x128xf32, #tpu.memory_space<vmem>>)
    %dma_wait3A_218 = arith.constant 3 : i32
    %dma_wait3A_219 = arith.constant 3 : i32
    %dma_wait3A_220 = arith.constant 0 : i32
    %dma_wait3A_221 = arith.constant 0 : i32
    %dma_wait3A_222 = tpu.memref_slice %arg12[%dma_wait3A_219, %dma_wait3A_220, %dma_wait3A_221] : memref<4x104x128xf32, #tpu.memory_space<vmem>> -> memref<1x104x128xf32, #tpu.memory_space<vmem>>
    %dma_wait3A_223 = tpu.memref_squeeze %dma_wait3A_222 : memref<1x104x128xf32, #tpu.memory_space<vmem>> -> memref<104x128xf32, #tpu.memory_space<vmem>>
    %dma_wait3A_224 = arith.constant 0 : i32
    %dma_wait3A_225 = tpu.memref_slice %arg9[%dma_wait3A_218, %dma_wait3A_224] : memref<4x104xi32, #tpu.memory_space<vmem>> -> memref<1x104xi32, #tpu.memory_space<vmem>>
    %dma_wait3A_226 = tpu.memref_squeeze %dma_wait3A_225 : memref<1x104xi32, #tpu.memory_space<vmem>> -> memref<104xi32, #tpu.memory_space<vmem>>
    %dma_wait3A_227 = arith.constant 0 : i32
    %dma_wait3A_228 = arith.constant 0 : i32
    %dma_wait3A_229 = tpu.memref_slice %arg2[%dma_wait3A_227, %dma_wait3A_228] : memref<26624x128xf32, #tpu.memory_space<hbm>> -> memref<26624x128xf32, #tpu.memory_space<hbm>>
    tpu.wait_indirect_dma semaphore(%arg17 : memref<!tpu.dma_semaphore, #tpu.memory_space<semaphore_mem>>) src(%dma_wait3A_229 : memref<26624x128xf32, #tpu.memory_space<hbm>>) dst(%dma_wait3A_223 : memref<104x128xf32, #tpu.memory_space<vmem>>)
    %dma_wait3A_230 = arith.constant 3 : i32
    %dma_wait3A_231 = arith.constant 3 : i32
    %dma_wait3A_232 = arith.constant 0 : i32
    %dma_wait3A_233 = arith.constant 0 : i32
    %dma_wait3A_234 = tpu.memref_slice %arg13[%dma_wait3A_231, %dma_wait3A_232, %dma_wait3A_233] : memref<4x104x128xf32, #tpu.memory_space<vmem>> -> memref<1x104x128xf32, #tpu.memory_space<vmem>>
    %dma_wait3A_235 = tpu.memref_squeeze %dma_wait3A_234 : memref<1x104x128xf32, #tpu.memory_space<vmem>> -> memref<104x128xf32, #tpu.memory_space<vmem>>
    %dma_wait3A_236 = arith.constant 0 : i32
    %dma_wait3A_237 = tpu.memref_slice %arg10[%dma_wait3A_230, %dma_wait3A_236] : memref<4x104xi32, #tpu.memory_space<vmem>> -> memref<1x104xi32, #tpu.memory_space<vmem>>
    %dma_wait3A_238 = tpu.memref_squeeze %dma_wait3A_237 : memref<1x104xi32, #tpu.memory_space<vmem>> -> memref<104xi32, #tpu.memory_space<vmem>>
    %dma_wait3A_239 = arith.constant 0 : i32
    %dma_wait3A_240 = arith.constant 0 : i32
    %dma_wait3A_241 = tpu.memref_slice %arg3[%dma_wait3A_239, %dma_wait3A_240] : memref<29x128xf32, #tpu.memory_space<hbm>> -> memref<29x128xf32, #tpu.memory_space<hbm>>
    tpu.wait_indirect_dma semaphore(%arg17 : memref<!tpu.dma_semaphore, #tpu.memory_space<semaphore_mem>>) src(%dma_wait3A_241 : memref<29x128xf32, #tpu.memory_space<hbm>>) dst(%dma_wait3A_235 : memref<104x128xf32, #tpu.memory_space<vmem>>)
    %scan3A_242 = arith.constant 0 : i32
    %scan3A_243 = arith.constant 0 : i32
    %scan3A_244 = arith.constant 104 : i32
    %scan3A_245 = arith.addi %scan3A_243, %scan3A_244 : i32
    %scan3A_246 = arith.constant 1 : i32
    %scan3A_247 = scf.for %scan3A_390 = %scan3A_243 to %scan3A_245 step %scan3A_246 iter_args(%scan3A_391 = %scan3A_242) -> (i32)  : i32 {
      %get3A = arith.constant 0 : i32
      %get3A_392 = arith.index_cast %get3A : i32 to index
      %get3A_393 = arith.index_cast %scan3A_390 : i32 to index
      %get3A_394 = arith.constant 0 : index
      %get3A_395 = tpu.vector_load %arg12[%get3A_392, %get3A_393, %get3A_394] {strides = array<i32>} : memref<4x104x128xf32, #tpu.memory_space<vmem>>, vector<1x1x16xf32>,
      %get3A_396 = vector.shape_cast %get3A_395 : vector<1x1x16xf32> to vector<16xf32>
      %get3A_397 = arith.constant 0 : i32
      %get3A_398 = arith.index_cast %get3A_397 : i32 to index
      %get3A_399 = arith.index_cast %scan3A_390 : i32 to index
      %get3A_400 = arith.constant 0 : index
      %get3A_401 = tpu.vector_load %arg13[%get3A_398, %get3A_399, %get3A_400] {strides = array<i32>} : memref<4x104x128xf32, #tpu.memory_space<vmem>>, vector<1x1x16xf32>,
      %get3A_402 = vector.shape_cast %get3A_401 : vector<1x1x16xf32> to vector<16xf32>
      %add3A_403 = arith.addf %get3A_396, %get3A_402 : vector<16xf32>
      %swap3A = arith.constant 0 : i32
      %swap3A_404 = arith.index_cast %swap3A : i32 to index
      %swap3A_405 = arith.index_cast %scan3A_390 : i32 to index
      %swap3A_406 = arith.constant 0 : index
      %swap3A_407 = tpu.vector_load %arg12[%swap3A_404, %swap3A_405, %swap3A_406] {strides = array<i32>} : memref<4x104x128xf32, #tpu.memory_space<vmem>>, vector<1x1x16xf32>,
      %swap3A_408 = vector.shape_cast %swap3A_407 : vector<1x1x16xf32> to vector<16xf32>
      %swap3A_409 = vector.shape_cast %add3A_403 : vector<16xf32> to vector<1x1x16xf32>
      tpu.vector_store %arg12[%swap3A_404, %swap3A_405, %swap3A_406], %swap3A_409 {strides = array<i32>} : memref<4x104x128xf32, #tpu.memory_space<vmem>>, vector<1x1x16xf32>,
      %get3A_410 = arith.constant 0 : i32
      %get3A_411 = arith.index_cast %get3A_410 : i32 to index
      %get3A_412 = arith.index_cast %scan3A_390 : i32 to index
      %get3A_413 = arith.constant 16 : index
      %get3A_414 = tpu.vector_load %arg12[%get3A_411, %get3A_412, %get3A_413] {strides = array<i32>} : memref<4x104x128xf32, #tpu.memory_space<vmem>>, vector<1x1x16xf32>,
      %get3A_415 = vector.shape_cast %get3A_414 : vector<1x1x16xf32> to vector<16xf32>
      %get3A_416 = arith.constant 0 : i32
      %get3A_417 = arith.index_cast %get3A_416 : i32 to index
      %get3A_418 = arith.index_cast %scan3A_390 : i32 to index
      %get3A_419 = arith.constant 16 : index
      %get3A_420 = tpu.vector_load %arg13[%get3A_417, %get3A_418, %get3A_419] {strides = array<i32>} : memref<4x104x128xf32, #tpu.memory_space<vmem>>, vector<1x1x16xf32>,
      %get3A_421 = vector.shape_cast %get3A_420 : vector<1x1x16xf32> to vector<16xf32>
      %add3A_422 = arith.addf %get3A_415, %get3A_421 : vector<16xf32>
      %swap3A_423 = arith.constant 0 : i32
      %swap3A_424 = arith.index_cast %swap3A_423 : i32 to index
      %swap3A_425 = arith.index_cast %scan3A_390 : i32 to index
      %swap3A_426 = arith.constant 16 : index
      %swap3A_427 = tpu.vector_load %arg12[%swap3A_424, %swap3A_425, %swap3A_426] {strides = array<i32>} : memref<4x104x128xf32, #tpu.memory_space<vmem>>, vector<1x1x16xf32>,
      %swap3A_428 = vector.shape_cast %swap3A_427 : vector<1x1x16xf32> to vector<16xf32>
      %swap3A_429 = vector.shape_cast %add3A_422 : vector<16xf32> to vector<1x1x16xf32>
      tpu.vector_store %arg12[%swap3A_424, %swap3A_425, %swap3A_426], %swap3A_429 {strides = array<i32>} : memref<4x104x128xf32, #tpu.memory_space<vmem>>, vector<1x1x16xf32>,
      %get3A_430 = arith.constant 0 : i32
      %get3A_431 = arith.index_cast %get3A_430 : i32 to index
      %get3A_432 = arith.index_cast %scan3A_390 : i32 to index
      %get3A_433 = arith.constant 32 : index
      %get3A_434 = tpu.vector_load %arg12[%get3A_431, %get3A_432, %get3A_433] {strides = array<i32>} : memref<4x104x128xf32, #tpu.memory_space<vmem>>, vector<1x1x16xf32>,
      %get3A_435 = vector.shape_cast %get3A_434 : vector<1x1x16xf32> to vector<16xf32>
      %get3A_436 = arith.constant 0 : i32
      %get3A_437 = arith.index_cast %get3A_436 : i32 to index
      %get3A_438 = arith.index_cast %scan3A_390 : i32 to index
      %get3A_439 = arith.constant 32 : index
      %get3A_440 = tpu.vector_load %arg13[%get3A_437, %get3A_438, %get3A_439] {strides = array<i32>} : memref<4x104x128xf32, #tpu.memory_space<vmem>>, vector<1x1x16xf32>,
      %get3A_441 = vector.shape_cast %get3A_440 : vector<1x1x16xf32> to vector<16xf32>
      %add3A_442 = arith.addf %get3A_435, %get3A_441 : vector<16xf32>
      %swap3A_443 = arith.constant 0 : i32
      %swap3A_444 = arith.index_cast %swap3A_443 : i32 to index
      %swap3A_445 = arith.index_cast %scan3A_390 : i32 to index
      %swap3A_446 = arith.constant 32 : index
      %swap3A_447 = tpu.vector_load %arg12[%swap3A_444, %swap3A_445, %swap3A_446] {strides = array<i32>} : memref<4x104x128xf32, #tpu.memory_space<vmem>>, vector<1x1x16xf32>,
      %swap3A_448 = vector.shape_cast %swap3A_447 : vector<1x1x16xf32> to vector<16xf32>
      %swap3A_449 = vector.shape_cast %add3A_442 : vector<16xf32> to vector<1x1x16xf32>
      tpu.vector_store %arg12[%swap3A_444, %swap3A_445, %swap3A_446], %swap3A_449 {strides = array<i32>} : memref<4x104x128xf32, #tpu.memory_space<vmem>>, vector<1x1x16xf32>,
      %get3A_450 = arith.constant 0 : i32
      %get3A_451 = arith.index_cast %get3A_450 : i32 to index
      %get3A_452 = arith.index_cast %scan3A_390 : i32 to index
      %get3A_453 = arith.constant 48 : index
      %get3A_454 = tpu.vector_load %arg12[%get3A_451, %get3A_452, %get3A_453] {strides = array<i32>} : memref<4x104x128xf32, #tpu.memory_space<vmem>>, vector<1x1x16xf32>,
      %get3A_455 = vector.shape_cast %get3A_454 : vector<1x1x16xf32> to vector<16xf32>
      %get3A_456 = arith.constant 0 : i32
      %get3A_457 = arith.index_cast %get3A_456 : i32 to index
      %get3A_458 = arith.index_cast %scan3A_390 : i32 to index
      %get3A_459 = arith.constant 48 : index
      %get3A_460 = tpu.vector_load %arg13[%get3A_457, %get3A_458, %get3A_459] {strides = array<i32>} : memref<4x104x128xf32, #tpu.memory_space<vmem>>, vector<1x1x16xf32>,
      %get3A_461 = vector.shape_cast %get3A_460 : vector<1x1x16xf32> to vector<16xf32>
      %add3A_462 = arith.addf %get3A_455, %get3A_461 : vector<16xf32>
      %swap3A_463 = arith.constant 0 : i32
      %swap3A_464 = arith.index_cast %swap3A_463 : i32 to index
      %swap3A_465 = arith.index_cast %scan3A_390 : i32 to index
      %swap3A_466 = arith.constant 48 : index
      %swap3A_467 = tpu.vector_load %arg12[%swap3A_464, %swap3A_465, %swap3A_466] {strides = array<i32>} : memref<4x104x128xf32, #tpu.memory_space<vmem>>, vector<1x1x16xf32>,
      %swap3A_468 = vector.shape_cast %swap3A_467 : vector<1x1x16xf32> to vector<16xf32>
      %swap3A_469 = vector.shape_cast %add3A_462 : vector<16xf32> to vector<1x1x16xf32>
      tpu.vector_store %arg12[%swap3A_464, %swap3A_465, %swap3A_466], %swap3A_469 {strides = array<i32>} : memref<4x104x128xf32, #tpu.memory_space<vmem>>, vector<1x1x16xf32>,
      %get3A_470 = arith.constant 0 : i32
      %get3A_471 = arith.index_cast %get3A_470 : i32 to index
      %get3A_472 = arith.index_cast %scan3A_390 : i32 to index
      %get3A_473 = arith.constant 64 : index
      %get3A_474 = tpu.vector_load %arg12[%get3A_471, %get3A_472, %get3A_473] {strides = array<i32>} : memref<4x104x128xf32, #tpu.memory_space<vmem>>, vector<1x1x16xf32>,
      %get3A_475 = vector.shape_cast %get3A_474 : vector<1x1x16xf32> to vector<16xf32>
      %get3A_476 = arith.constant 0 : i32
      %get3A_477 = arith.index_cast %get3A_476 : i32 to index
      %get3A_478 = arith.index_cast %scan3A_390 : i32 to index
      %get3A_479 = arith.constant 64 : index
      %get3A_480 = tpu.vector_load %arg13[%get3A_477, %get3A_478, %get3A_479] {strides = array<i32>} : memref<4x104x128xf32, #tpu.memory_space<vmem>>, vector<1x1x16xf32>,
      %get3A_481 = vector.shape_cast %get3A_480 : vector<1x1x16xf32> to vector<16xf32>
      %add3A_482 = arith.addf %get3A_475, %get3A_481 : vector<16xf32>
      %swap3A_483 = arith.constant 0 : i32
      %swap3A_484 = arith.index_cast %swap3A_483 : i32 to index
      %swap3A_485 = arith.index_cast %scan3A_390 : i32 to index
      %swap3A_486 = arith.constant 64 : index
      %swap3A_487 = tpu.vector_load %arg12[%swap3A_484, %swap3A_485, %swap3A_486] {strides = array<i32>} : memref<4x104x128xf32, #tpu.memory_space<vmem>>, vector<1x1x16xf32>,
      %swap3A_488 = vector.shape_cast %swap3A_487 : vector<1x1x16xf32> to vector<16xf32>
      %swap3A_489 = vector.shape_cast %add3A_482 : vector<16xf32> to vector<1x1x16xf32>
      tpu.vector_store %arg12[%swap3A_484, %swap3A_485, %swap3A_486], %swap3A_489 {strides = array<i32>} : memref<4x104x128xf32, #tpu.memory_space<vmem>>, vector<1x1x16xf32>,
      %get3A_490 = arith.constant 0 : i32
      %get3A_491 = arith.index_cast %get3A_490 : i32 to index
      %get3A_492 = arith.index_cast %scan3A_390 : i32 to index
      %get3A_493 = arith.constant 80 : index
      %get3A_494 = tpu.vector_load %arg12[%get3A_491, %get3A_492, %get3A_493] {strides = array<i32>} : memref<4x104x128xf32, #tpu.memory_space<vmem>>, vector<1x1x16xf32>,
      %get3A_495 = vector.shape_cast %get3A_494 : vector<1x1x16xf32> to vector<16xf32>
      %get3A_496 = arith.constant 0 : i32
      %get3A_497 = arith.index_cast %get3A_496 : i32 to index
      %get3A_498 = arith.index_cast %scan3A_390 : i32 to index
      %get3A_499 = arith.constant 80 : index
      %get3A_500 = tpu.vector_load %arg13[%get3A_497, %get3A_498, %get3A_499] {strides = array<i32>} : memref<4x104x128xf32, #tpu.memory_space<vmem>>, vector<1x1x16xf32>,
      %get3A_501 = vector.shape_cast %get3A_500 : vector<1x1x16xf32> to vector<16xf32>
      %add3A_502 = arith.addf %get3A_495, %get3A_501 : vector<16xf32>
      %swap3A_503 = arith.constant 0 : i32
      %swap3A_504 = arith.index_cast %swap3A_503 : i32 to index
      %swap3A_505 = arith.index_cast %scan3A_390 : i32 to index
      %swap3A_506 = arith.constant 80 : index
      %swap3A_507 = tpu.vector_load %arg12[%swap3A_504, %swap3A_505, %swap3A_506] {strides = array<i32>} : memref<4x104x128xf32, #tpu.memory_space<vmem>>, vector<1x1x16xf32>,
      %swap3A_508 = vector.shape_cast %swap3A_507 : vector<1x1x16xf32> to vector<16xf32>
      %swap3A_509 = vector.shape_cast %add3A_502 : vector<16xf32> to vector<1x1x16xf32>
      tpu.vector_store %arg12[%swap3A_504, %swap3A_505, %swap3A_506], %swap3A_509 {strides = array<i32>} : memref<4x104x128xf32, #tpu.memory_space<vmem>>, vector<1x1x16xf32>,
      %get3A_510 = arith.constant 0 : i32
      %get3A_511 = arith.index_cast %get3A_510 : i32 to index
      %get3A_512 = arith.index_cast %scan3A_390 : i32 to index
      %get3A_513 = arith.constant 96 : index
      %get3A_514 = tpu.vector_load %arg12[%get3A_511, %get3A_512, %get3A_513] {strides = array<i32>} : memref<4x104x128xf32, #tpu.memory_space<vmem>>, vector<1x1x16xf32>,
      %get3A_515 = vector.shape_cast %get3A_514 : vector<1x1x16xf32> to vector<16xf32>
      %get3A_516 = arith.constant 0 : i32
      %get3A_517 = arith.index_cast %get3A_516 : i32 to index
      %get3A_518 = arith.index_cast %scan3A_390 : i32 to index
      %get3A_519 = arith.constant 96 : index
      %get3A_520 = tpu.vector_load %arg13[%get3A_517, %get3A_518, %get3A_519] {strides = array<i32>} : memref<4x104x128xf32, #tpu.memory_space<vmem>>, vector<1x1x16xf32>,
      %get3A_521 = vector.shape_cast %get3A_520 : vector<1x1x16xf32> to vector<16xf32>
      %add3A_522 = arith.addf %get3A_515, %get3A_521 : vector<16xf32>
      %swap3A_523 = arith.constant 0 : i32
      %swap3A_524 = arith.index_cast %swap3A_523 : i32 to index
      %swap3A_525 = arith.index_cast %scan3A_390 : i32 to index
      %swap3A_526 = arith.constant 96 : index
      %swap3A_527 = tpu.vector_load %arg12[%swap3A_524, %swap3A_525, %swap3A_526] {strides = array<i32>} : memref<4x104x128xf32, #tpu.memory_space<vmem>>, vector<1x1x16xf32>,
      %swap3A_528 = vector.shape_cast %swap3A_527 : vector<1x1x16xf32> to vector<16xf32>
      %swap3A_529 = vector.shape_cast %add3A_522 : vector<16xf32> to vector<1x1x16xf32>
      tpu.vector_store %arg12[%swap3A_524, %swap3A_525, %swap3A_526], %swap3A_529 {strides = array<i32>} : memref<4x104x128xf32, #tpu.memory_space<vmem>>, vector<1x1x16xf32>,
      %get3A_530 = arith.constant 0 : i32
      %get3A_531 = arith.index_cast %get3A_530 : i32 to index
      %get3A_532 = arith.index_cast %scan3A_390 : i32 to index
      %get3A_533 = arith.constant 112 : index
      %get3A_534 = tpu.vector_load %arg12[%get3A_531, %get3A_532, %get3A_533] {strides = array<i32>} : memref<4x104x128xf32, #tpu.memory_space<vmem>>, vector<1x1x16xf32>,
      %get3A_535 = vector.shape_cast %get3A_534 : vector<1x1x16xf32> to vector<16xf32>
      %get3A_536 = arith.constant 0 : i32
      %get3A_537 = arith.index_cast %get3A_536 : i32 to index
      %get3A_538 = arith.index_cast %scan3A_390 : i32 to index
      %get3A_539 = arith.constant 112 : index
      %get3A_540 = tpu.vector_load %arg13[%get3A_537, %get3A_538, %get3A_539] {strides = array<i32>} : memref<4x104x128xf32, #tpu.memory_space<vmem>>, vector<1x1x16xf32>,
      %get3A_541 = vector.shape_cast %get3A_540 : vector<1x1x16xf32> to vector<16xf32>
      %add3A_542 = arith.addf %get3A_535, %get3A_541 : vector<16xf32>
      %swap3A_543 = arith.constant 0 : i32
      %swap3A_544 = arith.index_cast %swap3A_543 : i32 to index
      %swap3A_545 = arith.index_cast %scan3A_390 : i32 to index
      %swap3A_546 = arith.constant 112 : index
      %swap3A_547 = tpu.vector_load %arg12[%swap3A_544, %swap3A_545, %swap3A_546] {strides = array<i32>} : memref<4x104x128xf32, #tpu.memory_space<vmem>>, vector<1x1x16xf32>,
      %swap3A_548 = vector.shape_cast %swap3A_547 : vector<1x1x16xf32> to vector<16xf32>
      %swap3A_549 = vector.shape_cast %add3A_542 : vector<16xf32> to vector<1x1x16xf32>
      tpu.vector_store %arg12[%swap3A_544, %swap3A_545, %swap3A_546], %swap3A_549 {strides = array<i32>} : memref<4x104x128xf32, #tpu.memory_space<vmem>>, vector<1x1x16xf32>,
      %scan3A_550 = arith.constant 0 : i32
      scf.yield %scan3A_550 : i32
    }
    %scan3A_248 = arith.constant 104 : i32
    %mul3A_249 = arith.constant 4 : i32
    %mul3A_250 = arith.muli %add3A, %mul3A_249 : i32
    %add3A_251 = arith.constant 0 : i32
    %add3A_252 = arith.addi %mul3A_250, %add3A_251 : i32
    %run_scoped3A_253 = arith.constant 0 : i32
    "tpu.region"() ({
      %run_scoped3A_390 = tpu.sem_alloc : memref<!tpu.dma_semaphore, #tpu.memory_space<semaphore_mem>>
      %dma_start3A_391 = arith.constant 0 : i32
      %dma_start3A_392 = tpu.memref_slice %arg11[%run_scoped3A_253, %dma_start3A_391] : memref<4x104xi32, #tpu.memory_space<vmem>> -> memref<1x104xi32, #tpu.memory_space<vmem>>
      %dma_start3A_393 = tpu.memref_squeeze %dma_start3A_392 : memref<1x104xi32, #tpu.memory_space<vmem>> -> memref<104xi32, #tpu.memory_space<vmem>>
      %dma_start3A_394 = arith.constant 0 : i32
      %dma_start3A_395 = tpu.memref_slice %arg7[%add3A_252, %dma_start3A_394] : memref<128x104xi32, #tpu.memory_space<hbm>> -> memref<1x104xi32, #tpu.memory_space<hbm>>
      %dma_start3A_396 = tpu.memref_squeeze %dma_start3A_395 : memref<1x104xi32, #tpu.memory_space<hbm>> -> memref<104xi32, #tpu.memory_space<hbm>>
      %dma_start3A_397 = arith.constant 0 : i32
      %dma_start3A_398 = tpu.memref_slice %arg11[%run_scoped3A_253, %dma_start3A_397] : memref<4x104xi32, #tpu.memory_space<vmem>> -> memref<1x104xi32, #tpu.memory_space<vmem>>
      %dma_start3A_399 = tpu.memref_squeeze %dma_start3A_398 : memref<1x104xi32, #tpu.memory_space<vmem>> -> memref<104xi32, #tpu.memory_space<vmem>>
      %dma_start3A_400 = arith.constant 0 : i32
      %dma_start3A_401 = tpu.memref_slice %arg7[%add3A_252, %dma_start3A_400] : memref<128x104xi32, #tpu.memory_space<hbm>> -> memref<1x104xi32, #tpu.memory_space<hbm>>
      %dma_start3A_402 = tpu.memref_squeeze %dma_start3A_401 : memref<1x104xi32, #tpu.memory_space<hbm>> -> memref<104xi32, #tpu.memory_space<hbm>>
      tpu.enqueue_dma source(%dma_start3A_402 : memref<104xi32, #tpu.memory_space<hbm>>) target(%dma_start3A_399 : memref<104xi32, #tpu.memory_space<vmem>>) target_semaphore(%run_scoped3A_390 : memref<!tpu.dma_semaphore, #tpu.memory_space<semaphore_mem>>)
      %dma_wait3A_403 = arith.constant 0 : i32
      %dma_wait3A_404 = tpu.memref_slice %arg11[%run_scoped3A_253, %dma_wait3A_403] : memref<4x104xi32, #tpu.memory_space<vmem>> -> memref<1x104xi32, #tpu.memory_space<vmem>>
      %dma_wait3A_405 = tpu.memref_squeeze %dma_wait3A_404 : memref<1x104xi32, #tpu.memory_space<vmem>> -> memref<104xi32, #tpu.memory_space<vmem>>
      %dma_wait3A_406 = arith.constant 0 : i32
      %dma_wait3A_407 = tpu.memref_slice %arg7[%add3A_252, %dma_wait3A_406] : memref<128x104xi32, #tpu.memory_space<hbm>> -> memref<1x104xi32, #tpu.memory_space<hbm>>
      %dma_wait3A_408 = tpu.memref_squeeze %dma_wait3A_407 : memref<1x104xi32, #tpu.memory_space<hbm>> -> memref<104xi32, #tpu.memory_space<hbm>>
      %dma_wait3A_409 = arith.constant 0 : i32
      %dma_wait3A_410 = tpu.memref_slice %arg11[%run_scoped3A_253, %dma_wait3A_409] : memref<4x104xi32, #tpu.memory_space<vmem>> -> memref<1x104xi32, #tpu.memory_space<vmem>>
      %dma_wait3A_411 = tpu.memref_squeeze %dma_wait3A_410 : memref<1x104xi32, #tpu.memory_space<vmem>> -> memref<104xi32, #tpu.memory_space<vmem>>
      %dma_wait3A_412 = arith.constant 0 : i32
      %dma_wait3A_413 = tpu.memref_slice %arg7[%add3A_252, %dma_wait3A_412] : memref<128x104xi32, #tpu.memory_space<hbm>> -> memref<1x104xi32, #tpu.memory_space<hbm>>
      %dma_wait3A_414 = tpu.memref_squeeze %dma_wait3A_413 : memref<1x104xi32, #tpu.memory_space<hbm>> -> memref<104xi32, #tpu.memory_space<hbm>>
      tpu.wait_dma2 semaphore(%run_scoped3A_390 : memref<!tpu.dma_semaphore, #tpu.memory_space<semaphore_mem>>) src(%dma_wait3A_414 : memref<104xi32, #tpu.memory_space<hbm>>) dst(%dma_wait3A_411 : memref<104xi32, #tpu.memory_space<vmem>>)
      tpu.yield
    }) : () -> ()
    %dma_start3A_254 = arith.constant 0 : i32
    %dma_start3A_255 = arith.constant 0 : i32
    %dma_start3A_256 = arith.constant 0 : i32
    %dma_start3A_257 = arith.constant 0 : i32
    %dma_start3A_258 = tpu.memref_slice %arg12[%dma_start3A_254, %dma_start3A_256, %dma_start3A_257] : memref<4x104x128xf32, #tpu.memory_space<vmem>> -> memref<1x104x128xf32, #tpu.memory_space<vmem>>
    %dma_start3A_259 = tpu.memref_squeeze %dma_start3A_258 : memref<1x104x128xf32, #tpu.memory_space<vmem>> -> memref<104x128xf32, #tpu.memory_space<vmem>>
    %dma_start3A_260 = arith.constant 0 : i32
    %dma_start3A_261 = tpu.memref_slice %arg11[%dma_start3A_255, %dma_start3A_260] : memref<4x104xi32, #tpu.memory_space<vmem>> -> memref<1x104xi32, #tpu.memory_space<vmem>>
    %dma_start3A_262 = tpu.memref_squeeze %dma_start3A_261 : memref<1x104xi32, #tpu.memory_space<vmem>> -> memref<104xi32, #tpu.memory_space<vmem>>
    %dma_start3A_263 = arith.constant 0 : i32
    %dma_start3A_264 = arith.constant 0 : i32
    %dma_start3A_265 = tpu.memref_slice %arg8[%dma_start3A_263, %dma_start3A_264] : memref<14336x128xf32, #tpu.memory_space<hbm>> -> memref<14336x128xf32, #tpu.memory_space<hbm>>
    tpu.enqueue_indirect_dma source(%dma_start3A_259 : memref<104x128xf32, #tpu.memory_space<vmem>>) target(%dma_start3A_265 : memref<14336x128xf32, #tpu.memory_space<hbm>>) offsets(%dma_start3A_262 : memref<104xi32, #tpu.memory_space<vmem>>) semaphore(%arg18 : memref<!tpu.dma_semaphore, #tpu.memory_space<semaphore_mem>>)
    %scan3A_266 = arith.constant 0 : i32
    %scan3A_267 = arith.constant 0 : i32
    %scan3A_268 = arith.constant 104 : i32
    %scan3A_269 = arith.addi %scan3A_267, %scan3A_268 : i32
    %scan3A_270 = arith.constant 1 : i32
    %scan3A_271 = scf.for %scan3A_390 = %scan3A_267 to %scan3A_269 step %scan3A_270 iter_args(%scan3A_391 = %scan3A_266) -> (i32)  : i32 {
      %get3A = arith.constant 1 : i32
      %get3A_392 = arith.index_cast %get3A : i32 to index
      %get3A_393 = arith.index_cast %scan3A_390 : i32 to index
      %get3A_394 = arith.constant 0 : index
      %get3A_395 = tpu.vector_load %arg12[%get3A_392, %get3A_393, %get3A_394] {strides = array<i32>} : memref<4x104x128xf32, #tpu.memory_space<vmem>>, vector<1x1x16xf32>,
      %get3A_396 = vector.shape_cast %get3A_395 : vector<1x1x16xf32> to vector<16xf32>
      %get3A_397 = arith.constant 1 : i32
      %get3A_398 = arith.index_cast %get3A_397 : i32 to index
      %get3A_399 = arith.index_cast %scan3A_390 : i32 to index
      %get3A_400 = arith.constant 0 : index
      %get3A_401 = tpu.vector_load %arg13[%get3A_398, %get3A_399, %get3A_400] {strides = array<i32>} : memref<4x104x128xf32, #tpu.memory_space<vmem>>, vector<1x1x16xf32>,
      %get3A_402 = vector.shape_cast %get3A_401 : vector<1x1x16xf32> to vector<16xf32>
      %add3A_403 = arith.addf %get3A_396, %get3A_402 : vector<16xf32>
      %swap3A = arith.constant 1 : i32
      %swap3A_404 = arith.index_cast %swap3A : i32 to index
      %swap3A_405 = arith.index_cast %scan3A_390 : i32 to index
      %swap3A_406 = arith.constant 0 : index
      %swap3A_407 = tpu.vector_load %arg12[%swap3A_404, %swap3A_405, %swap3A_406] {strides = array<i32>} : memref<4x104x128xf32, #tpu.memory_space<vmem>>, vector<1x1x16xf32>,
      %swap3A_408 = vector.shape_cast %swap3A_407 : vector<1x1x16xf32> to vector<16xf32>
      %swap3A_409 = vector.shape_cast %add3A_403 : vector<16xf32> to vector<1x1x16xf32>
      tpu.vector_store %arg12[%swap3A_404, %swap3A_405, %swap3A_406], %swap3A_409 {strides = array<i32>} : memref<4x104x128xf32, #tpu.memory_space<vmem>>, vector<1x1x16xf32>,
      %get3A_410 = arith.constant 1 : i32
      %get3A_411 = arith.index_cast %get3A_410 : i32 to index
      %get3A_412 = arith.index_cast %scan3A_390 : i32 to index
      %get3A_413 = arith.constant 16 : index
      %get3A_414 = tpu.vector_load %arg12[%get3A_411, %get3A_412, %get3A_413] {strides = array<i32>} : memref<4x104x128xf32, #tpu.memory_space<vmem>>, vector<1x1x16xf32>,
      %get3A_415 = vector.shape_cast %get3A_414 : vector<1x1x16xf32> to vector<16xf32>
      %get3A_416 = arith.constant 1 : i32
      %get3A_417 = arith.index_cast %get3A_416 : i32 to index
      %get3A_418 = arith.index_cast %scan3A_390 : i32 to index
      %get3A_419 = arith.constant 16 : index
      %get3A_420 = tpu.vector_load %arg13[%get3A_417, %get3A_418, %get3A_419] {strides = array<i32>} : memref<4x104x128xf32, #tpu.memory_space<vmem>>, vector<1x1x16xf32>,
      %get3A_421 = vector.shape_cast %get3A_420 : vector<1x1x16xf32> to vector<16xf32>
      %add3A_422 = arith.addf %get3A_415, %get3A_421 : vector<16xf32>
      %swap3A_423 = arith.constant 1 : i32
      %swap3A_424 = arith.index_cast %swap3A_423 : i32 to index
      %swap3A_425 = arith.index_cast %scan3A_390 : i32 to index
      %swap3A_426 = arith.constant 16 : index
      %swap3A_427 = tpu.vector_load %arg12[%swap3A_424, %swap3A_425, %swap3A_426] {strides = array<i32>} : memref<4x104x128xf32, #tpu.memory_space<vmem>>, vector<1x1x16xf32>,
      %swap3A_428 = vector.shape_cast %swap3A_427 : vector<1x1x16xf32> to vector<16xf32>
      %swap3A_429 = vector.shape_cast %add3A_422 : vector<16xf32> to vector<1x1x16xf32>
      tpu.vector_store %arg12[%swap3A_424, %swap3A_425, %swap3A_426], %swap3A_429 {strides = array<i32>} : memref<4x104x128xf32, #tpu.memory_space<vmem>>, vector<1x1x16xf32>,
      %get3A_430 = arith.constant 1 : i32
      %get3A_431 = arith.index_cast %get3A_430 : i32 to index
      %get3A_432 = arith.index_cast %scan3A_390 : i32 to index
      %get3A_433 = arith.constant 32 : index
      %get3A_434 = tpu.vector_load %arg12[%get3A_431, %get3A_432, %get3A_433] {strides = array<i32>} : memref<4x104x128xf32, #tpu.memory_space<vmem>>, vector<1x1x16xf32>,
      %get3A_435 = vector.shape_cast %get3A_434 : vector<1x1x16xf32> to vector<16xf32>
      %get3A_436 = arith.constant 1 : i32
      %get3A_437 = arith.index_cast %get3A_436 : i32 to index
      %get3A_438 = arith.index_cast %scan3A_390 : i32 to index
      %get3A_439 = arith.constant 32 : index
      %get3A_440 = tpu.vector_load %arg13[%get3A_437, %get3A_438, %get3A_439] {strides = array<i32>} : memref<4x104x128xf32, #tpu.memory_space<vmem>>, vector<1x1x16xf32>,
      %get3A_441 = vector.shape_cast %get3A_440 : vector<1x1x16xf32> to vector<16xf32>
      %add3A_442 = arith.addf %get3A_435, %get3A_441 : vector<16xf32>
      %swap3A_443 = arith.constant 1 : i32
      %swap3A_444 = arith.index_cast %swap3A_443 : i32 to index
      %swap3A_445 = arith.index_cast %scan3A_390 : i32 to index
      %swap3A_446 = arith.constant 32 : index
      %swap3A_447 = tpu.vector_load %arg12[%swap3A_444, %swap3A_445, %swap3A_446] {strides = array<i32>} : memref<4x104x128xf32, #tpu.memory_space<vmem>>, vector<1x1x16xf32>,
      %swap3A_448 = vector.shape_cast %swap3A_447 : vector<1x1x16xf32> to vector<16xf32>
      %swap3A_449 = vector.shape_cast %add3A_442 : vector<16xf32> to vector<1x1x16xf32>
      tpu.vector_store %arg12[%swap3A_444, %swap3A_445, %swap3A_446], %swap3A_449 {strides = array<i32>} : memref<4x104x128xf32, #tpu.memory_space<vmem>>, vector<1x1x16xf32>,
      %get3A_450 = arith.constant 1 : i32
      %get3A_451 = arith.index_cast %get3A_450 : i32 to index
      %get3A_452 = arith.index_cast %scan3A_390 : i32 to index
      %get3A_453 = arith.constant 48 : index
      %get3A_454 = tpu.vector_load %arg12[%get3A_451, %get3A_452, %get3A_453] {strides = array<i32>} : memref<4x104x128xf32, #tpu.memory_space<vmem>>, vector<1x1x16xf32>,
      %get3A_455 = vector.shape_cast %get3A_454 : vector<1x1x16xf32> to vector<16xf32>
      %get3A_456 = arith.constant 1 : i32
      %get3A_457 = arith.index_cast %get3A_456 : i32 to index
      %get3A_458 = arith.index_cast %scan3A_390 : i32 to index
      %get3A_459 = arith.constant 48 : index
      %get3A_460 = tpu.vector_load %arg13[%get3A_457, %get3A_458, %get3A_459] {strides = array<i32>} : memref<4x104x128xf32, #tpu.memory_space<vmem>>, vector<1x1x16xf32>,
      %get3A_461 = vector.shape_cast %get3A_460 : vector<1x1x16xf32> to vector<16xf32>
      %add3A_462 = arith.addf %get3A_455, %get3A_461 : vector<16xf32>
      %swap3A_463 = arith.constant 1 : i32
      %swap3A_464 = arith.index_cast %swap3A_463 : i32 to index
      %swap3A_465 = arith.index_cast %scan3A_390 : i32 to index
      %swap3A_466 = arith.constant 48 : index
      %swap3A_467 = tpu.vector_load %arg12[%swap3A_464, %swap3A_465, %swap3A_466] {strides = array<i32>} : memref<4x104x128xf32, #tpu.memory_space<vmem>>, vector<1x1x16xf32>,
      %swap3A_468 = vector.shape_cast %swap3A_467 : vector<1x1x16xf32> to vector<16xf32>
      %swap3A_469 = vector.shape_cast %add3A_462 : vector<16xf32> to vector<1x1x16xf32>
      tpu.vector_store %arg12[%swap3A_464, %swap3A_465, %swap3A_466], %swap3A_469 {strides = array<i32>} : memref<4x104x128xf32, #tpu.memory_space<vmem>>, vector<1x1x16xf32>,
      %get3A_470 = arith.constant 1 : i32
      %get3A_471 = arith.index_cast %get3A_470 : i32 to index
      %get3A_472 = arith.index_cast %scan3A_390 : i32 to index
      %get3A_473 = arith.constant 64 : index
      %get3A_474 = tpu.vector_load %arg12[%get3A_471, %get3A_472, %get3A_473] {strides = array<i32>} : memref<4x104x128xf32, #tpu.memory_space<vmem>>, vector<1x1x16xf32>,
      %get3A_475 = vector.shape_cast %get3A_474 : vector<1x1x16xf32> to vector<16xf32>
      %get3A_476 = arith.constant 1 : i32
      %get3A_477 = arith.index_cast %get3A_476 : i32 to index
      %get3A_478 = arith.index_cast %scan3A_390 : i32 to index
      %get3A_479 = arith.constant 64 : index
      %get3A_480 = tpu.vector_load %arg13[%get3A_477, %get3A_478, %get3A_479] {strides = array<i32>} : memref<4x104x128xf32, #tpu.memory_space<vmem>>, vector<1x1x16xf32>,
      %get3A_481 = vector.shape_cast %get3A_480 : vector<1x1x16xf32> to vector<16xf32>
      %add3A_482 = arith.addf %get3A_475, %get3A_481 : vector<16xf32>
      %swap3A_483 = arith.constant 1 : i32
      %swap3A_484 = arith.index_cast %swap3A_483 : i32 to index
      %swap3A_485 = arith.index_cast %scan3A_390 : i32 to index
      %swap3A_486 = arith.constant 64 : index
      %swap3A_487 = tpu.vector_load %arg12[%swap3A_484, %swap3A_485, %swap3A_486] {strides = array<i32>} : memref<4x104x128xf32, #tpu.memory_space<vmem>>, vector<1x1x16xf32>,
      %swap3A_488 = vector.shape_cast %swap3A_487 : vector<1x1x16xf32> to vector<16xf32>
      %swap3A_489 = vector.shape_cast %add3A_482 : vector<16xf32> to vector<1x1x16xf32>
      tpu.vector_store %arg12[%swap3A_484, %swap3A_485, %swap3A_486], %swap3A_489 {strides = array<i32>} : memref<4x104x128xf32, #tpu.memory_space<vmem>>, vector<1x1x16xf32>,
      %get3A_490 = arith.constant 1 : i32
      %get3A_491 = arith.index_cast %get3A_490 : i32 to index
      %get3A_492 = arith.index_cast %scan3A_390 : i32 to index
      %get3A_493 = arith.constant 80 : index
      %get3A_494 = tpu.vector_load %arg12[%get3A_491, %get3A_492, %get3A_493] {strides = array<i32>} : memref<4x104x128xf32, #tpu.memory_space<vmem>>, vector<1x1x16xf32>,
      %get3A_495 = vector.shape_cast %get3A_494 : vector<1x1x16xf32> to vector<16xf32>
      %get3A_496 = arith.constant 1 : i32
      %get3A_497 = arith.index_cast %get3A_496 : i32 to index
      %get3A_498 = arith.index_cast %scan3A_390 : i32 to index
      %get3A_499 = arith.constant 80 : index
      %get3A_500 = tpu.vector_load %arg13[%get3A_497, %get3A_498, %get3A_499] {strides = array<i32>} : memref<4x104x128xf32, #tpu.memory_space<vmem>>, vector<1x1x16xf32>,
      %get3A_501 = vector.shape_cast %get3A_500 : vector<1x1x16xf32> to vector<16xf32>
      %add3A_502 = arith.addf %get3A_495, %get3A_501 : vector<16xf32>
      %swap3A_503 = arith.constant 1 : i32
      %swap3A_504 = arith.index_cast %swap3A_503 : i32 to index
      %swap3A_505 = arith.index_cast %scan3A_390 : i32 to index
      %swap3A_506 = arith.constant 80 : index
      %swap3A_507 = tpu.vector_load %arg12[%swap3A_504, %swap3A_505, %swap3A_506] {strides = array<i32>} : memref<4x104x128xf32, #tpu.memory_space<vmem>>, vector<1x1x16xf32>,
      %swap3A_508 = vector.shape_cast %swap3A_507 : vector<1x1x16xf32> to vector<16xf32>
      %swap3A_509 = vector.shape_cast %add3A_502 : vector<16xf32> to vector<1x1x16xf32>
      tpu.vector_store %arg12[%swap3A_504, %swap3A_505, %swap3A_506], %swap3A_509 {strides = array<i32>} : memref<4x104x128xf32, #tpu.memory_space<vmem>>, vector<1x1x16xf32>,
      %get3A_510 = arith.constant 1 : i32
      %get3A_511 = arith.index_cast %get3A_510 : i32 to index
      %get3A_512 = arith.index_cast %scan3A_390 : i32 to index
      %get3A_513 = arith.constant 96 : index
      %get3A_514 = tpu.vector_load %arg12[%get3A_511, %get3A_512, %get3A_513] {strides = array<i32>} : memref<4x104x128xf32, #tpu.memory_space<vmem>>, vector<1x1x16xf32>,
      %get3A_515 = vector.shape_cast %get3A_514 : vector<1x1x16xf32> to vector<16xf32>
      %get3A_516 = arith.constant 1 : i32
      %get3A_517 = arith.index_cast %get3A_516 : i32 to index
      %get3A_518 = arith.index_cast %scan3A_390 : i32 to index
      %get3A_519 = arith.constant 96 : index
      %get3A_520 = tpu.vector_load %arg13[%get3A_517, %get3A_518, %get3A_519] {strides = array<i32>} : memref<4x104x128xf32, #tpu.memory_space<vmem>>, vector<1x1x16xf32>,
      %get3A_521 = vector.shape_cast %get3A_520 : vector<1x1x16xf32> to vector<16xf32>
      %add3A_522 = arith.addf %get3A_515, %get3A_521 : vector<16xf32>
      %swap3A_523 = arith.constant 1 : i32
      %swap3A_524 = arith.index_cast %swap3A_523 : i32 to index
      %swap3A_525 = arith.index_cast %scan3A_390 : i32 to index
      %swap3A_526 = arith.constant 96 : index
      %swap3A_527 = tpu.vector_load %arg12[%swap3A_524, %swap3A_525, %swap3A_526] {strides = array<i32>} : memref<4x104x128xf32, #tpu.memory_space<vmem>>, vector<1x1x16xf32>,
      %swap3A_528 = vector.shape_cast %swap3A_527 : vector<1x1x16xf32> to vector<16xf32>
      %swap3A_529 = vector.shape_cast %add3A_522 : vector<16xf32> to vector<1x1x16xf32>
      tpu.vector_store %arg12[%swap3A_524, %swap3A_525, %swap3A_526], %swap3A_529 {strides = array<i32>} : memref<4x104x128xf32, #tpu.memory_space<vmem>>, vector<1x1x16xf32>,
      %get3A_530 = arith.constant 1 : i32
      %get3A_531 = arith.index_cast %get3A_530 : i32 to index
      %get3A_532 = arith.index_cast %scan3A_390 : i32 to index
      %get3A_533 = arith.constant 112 : index
      %get3A_534 = tpu.vector_load %arg12[%get3A_531, %get3A_532, %get3A_533] {strides = array<i32>} : memref<4x104x128xf32, #tpu.memory_space<vmem>>, vector<1x1x16xf32>,
      %get3A_535 = vector.shape_cast %get3A_534 : vector<1x1x16xf32> to vector<16xf32>
      %get3A_536 = arith.constant 1 : i32
      %get3A_537 = arith.index_cast %get3A_536 : i32 to index
      %get3A_538 = arith.index_cast %scan3A_390 : i32 to index
      %get3A_539 = arith.constant 112 : index
      %get3A_540 = tpu.vector_load %arg13[%get3A_537, %get3A_538, %get3A_539] {strides = array<i32>} : memref<4x104x128xf32, #tpu.memory_space<vmem>>, vector<1x1x16xf32>,
      %get3A_541 = vector.shape_cast %get3A_540 : vector<1x1x16xf32> to vector<16xf32>
      %add3A_542 = arith.addf %get3A_535, %get3A_541 : vector<16xf32>
      %swap3A_543 = arith.constant 1 : i32
      %swap3A_544 = arith.index_cast %swap3A_543 : i32 to index
      %swap3A_545 = arith.index_cast %scan3A_390 : i32 to index
      %swap3A_546 = arith.constant 112 : index
      %swap3A_547 = tpu.vector_load %arg12[%swap3A_544, %swap3A_545, %swap3A_546] {strides = array<i32>} : memref<4x104x128xf32, #tpu.memory_space<vmem>>, vector<1x1x16xf32>,
      %swap3A_548 = vector.shape_cast %swap3A_547 : vector<1x1x16xf32> to vector<16xf32>
      %swap3A_549 = vector.shape_cast %add3A_542 : vector<16xf32> to vector<1x1x16xf32>
      tpu.vector_store %arg12[%swap3A_544, %swap3A_545, %swap3A_546], %swap3A_549 {strides = array<i32>} : memref<4x104x128xf32, #tpu.memory_space<vmem>>, vector<1x1x16xf32>,
      %scan3A_550 = arith.constant 0 : i32
      scf.yield %scan3A_550 : i32
    }
    %scan3A_272 = arith.constant 104 : i32
    %mul3A_273 = arith.constant 4 : i32
    %mul3A_274 = arith.muli %add3A, %mul3A_273 : i32
    %add3A_275 = arith.constant 1 : i32
    %add3A_276 = arith.addi %mul3A_274, %add3A_275 : i32
    %run_scoped3A_277 = arith.constant 1 : i32
    "tpu.region"() ({
      %run_scoped3A_390 = tpu.sem_alloc : memref<!tpu.dma_semaphore, #tpu.memory_space<semaphore_mem>>
      %dma_start3A_391 = arith.constant 0 : i32
      %dma_start3A_392 = tpu.memref_slice %arg11[%run_scoped3A_277, %dma_start3A_391] : memref<4x104xi32, #tpu.memory_space<vmem>> -> memref<1x104xi32, #tpu.memory_space<vmem>>
      %dma_start3A_393 = tpu.memref_squeeze %dma_start3A_392 : memref<1x104xi32, #tpu.memory_space<vmem>> -> memref<104xi32, #tpu.memory_space<vmem>>
      %dma_start3A_394 = arith.constant 0 : i32
      %dma_start3A_395 = tpu.memref_slice %arg7[%add3A_276, %dma_start3A_394] : memref<128x104xi32, #tpu.memory_space<hbm>> -> memref<1x104xi32, #tpu.memory_space<hbm>>
      %dma_start3A_396 = tpu.memref_squeeze %dma_start3A_395 : memref<1x104xi32, #tpu.memory_space<hbm>> -> memref<104xi32, #tpu.memory_space<hbm>>
      %dma_start3A_397 = arith.constant 0 : i32
      %dma_start3A_398 = tpu.memref_slice %arg11[%run_scoped3A_277, %dma_start3A_397] : memref<4x104xi32, #tpu.memory_space<vmem>> -> memref<1x104xi32, #tpu.memory_space<vmem>>
      %dma_start3A_399 = tpu.memref_squeeze %dma_start3A_398 : memref<1x104xi32, #tpu.memory_space<vmem>> -> memref<104xi32, #tpu.memory_space<vmem>>
      %dma_start3A_400 = arith.constant 0 : i32
      %dma_start3A_401 = tpu.memref_slice %arg7[%add3A_276, %dma_start3A_400] : memref<128x104xi32, #tpu.memory_space<hbm>> -> memref<1x104xi32, #tpu.memory_space<hbm>>
      %dma_start3A_402 = tpu.memref_squeeze %dma_start3A_401 : memref<1x104xi32, #tpu.memory_space<hbm>> -> memref<104xi32, #tpu.memory_space<hbm>>
      tpu.enqueue_dma source(%dma_start3A_402 : memref<104xi32, #tpu.memory_space<hbm>>) target(%dma_start3A_399 : memref<104xi32, #tpu.memory_space<vmem>>) target_semaphore(%run_scoped3A_390 : memref<!tpu.dma_semaphore, #tpu.memory_space<semaphore_mem>>)
      %dma_wait3A_403 = arith.constant 0 : i32
      %dma_wait3A_404 = tpu.memref_slice %arg11[%run_scoped3A_277, %dma_wait3A_403] : memref<4x104xi32, #tpu.memory_space<vmem>> -> memref<1x104xi32, #tpu.memory_space<vmem>>
      %dma_wait3A_405 = tpu.memref_squeeze %dma_wait3A_404 : memref<1x104xi32, #tpu.memory_space<vmem>> -> memref<104xi32, #tpu.memory_space<vmem>>
      %dma_wait3A_406 = arith.constant 0 : i32
      %dma_wait3A_407 = tpu.memref_slice %arg7[%add3A_276, %dma_wait3A_406] : memref<128x104xi32, #tpu.memory_space<hbm>> -> memref<1x104xi32, #tpu.memory_space<hbm>>
      %dma_wait3A_408 = tpu.memref_squeeze %dma_wait3A_407 : memref<1x104xi32, #tpu.memory_space<hbm>> -> memref<104xi32, #tpu.memory_space<hbm>>
      %dma_wait3A_409 = arith.constant 0 : i32
      %dma_wait3A_410 = tpu.memref_slice %arg11[%run_scoped3A_277, %dma_wait3A_409] : memref<4x104xi32, #tpu.memory_space<vmem>> -> memref<1x104xi32, #tpu.memory_space<vmem>>
      %dma_wait3A_411 = tpu.memref_squeeze %dma_wait3A_410 : memref<1x104xi32, #tpu.memory_space<vmem>> -> memref<104xi32, #tpu.memory_space<vmem>>
      %dma_wait3A_412 = arith.constant 0 : i32
      %dma_wait3A_413 = tpu.memref_slice %arg7[%add3A_276, %dma_wait3A_412] : memref<128x104xi32, #tpu.memory_space<hbm>> -> memref<1x104xi32, #tpu.memory_space<hbm>>
      %dma_wait3A_414 = tpu.memref_squeeze %dma_wait3A_413 : memref<1x104xi32, #tpu.memory_space<hbm>> -> memref<104xi32, #tpu.memory_space<hbm>>
      tpu.wait_dma2 semaphore(%run_scoped3A_390 : memref<!tpu.dma_semaphore, #tpu.memory_space<semaphore_mem>>) src(%dma_wait3A_414 : memref<104xi32, #tpu.memory_space<hbm>>) dst(%dma_wait3A_411 : memref<104xi32, #tpu.memory_space<vmem>>)
      tpu.yield
    }) : () -> ()
    %dma_start3A_278 = arith.constant 1 : i32
    %dma_start3A_279 = arith.constant 1 : i32
    %dma_start3A_280 = arith.constant 0 : i32
    %dma_start3A_281 = arith.constant 0 : i32
    %dma_start3A_282 = tpu.memref_slice %arg12[%dma_start3A_278, %dma_start3A_280, %dma_start3A_281] : memref<4x104x128xf32, #tpu.memory_space<vmem>> -> memref<1x104x128xf32, #tpu.memory_space<vmem>>
    %dma_start3A_283 = tpu.memref_squeeze %dma_start3A_282 : memref<1x104x128xf32, #tpu.memory_space<vmem>> -> memref<104x128xf32, #tpu.memory_space<vmem>>
    %dma_start3A_284 = arith.constant 0 : i32
    %dma_start3A_285 = tpu.memref_slice %arg11[%dma_start3A_279, %dma_start3A_284] : memref<4x104xi32, #tpu.memory_space<vmem>> -> memref<1x104xi32, #tpu.memory_space<vmem>>
    %dma_start3A_286 = tpu.memref_squeeze %dma_start3A_285 : memref<1x104xi32, #tpu.memory_space<vmem>> -> memref<104xi32, #tpu.memory_space<vmem>>
    %dma_start3A_287 = arith.constant 0 : i32
    %dma_start3A_288 = arith.constant 0 : i32
    %dma_start3A_289 = tpu.memref_slice %arg8[%dma_start3A_287, %dma_start3A_288] : memref<14336x128xf32, #tpu.memory_space<hbm>> -> memref<14336x128xf32, #tpu.memory_space<hbm>>
    tpu.enqueue_indirect_dma source(%dma_start3A_283 : memref<104x128xf32, #tpu.memory_space<vmem>>) target(%dma_start3A_289 : memref<14336x128xf32, #tpu.memory_space<hbm>>) offsets(%dma_start3A_286 : memref<104xi32, #tpu.memory_space<vmem>>) semaphore(%arg18 : memref<!tpu.dma_semaphore, #tpu.memory_space<semaphore_mem>>)
    %scan3A_290 = arith.constant 0 : i32
    %scan3A_291 = arith.constant 0 : i32
    %scan3A_292 = arith.constant 104 : i32
    %scan3A_293 = arith.addi %scan3A_291, %scan3A_292 : i32
    %scan3A_294 = arith.constant 1 : i32
    %scan3A_295 = scf.for %scan3A_390 = %scan3A_291 to %scan3A_293 step %scan3A_294 iter_args(%scan3A_391 = %scan3A_290) -> (i32)  : i32 {
      %get3A = arith.constant 2 : i32
      %get3A_392 = arith.index_cast %get3A : i32 to index
      %get3A_393 = arith.index_cast %scan3A_390 : i32 to index
      %get3A_394 = arith.constant 0 : index
      %get3A_395 = tpu.vector_load %arg12[%get3A_392, %get3A_393, %get3A_394] {strides = array<i32>} : memref<4x104x128xf32, #tpu.memory_space<vmem>>, vector<1x1x16xf32>,
      %get3A_396 = vector.shape_cast %get3A_395 : vector<1x1x16xf32> to vector<16xf32>
      %get3A_397 = arith.constant 2 : i32
      %get3A_398 = arith.index_cast %get3A_397 : i32 to index
      %get3A_399 = arith.index_cast %scan3A_390 : i32 to index
      %get3A_400 = arith.constant 0 : index
      %get3A_401 = tpu.vector_load %arg13[%get3A_398, %get3A_399, %get3A_400] {strides = array<i32>} : memref<4x104x128xf32, #tpu.memory_space<vmem>>, vector<1x1x16xf32>,
      %get3A_402 = vector.shape_cast %get3A_401 : vector<1x1x16xf32> to vector<16xf32>
      %add3A_403 = arith.addf %get3A_396, %get3A_402 : vector<16xf32>
      %swap3A = arith.constant 2 : i32
      %swap3A_404 = arith.index_cast %swap3A : i32 to index
      %swap3A_405 = arith.index_cast %scan3A_390 : i32 to index
      %swap3A_406 = arith.constant 0 : index
      %swap3A_407 = tpu.vector_load %arg12[%swap3A_404, %swap3A_405, %swap3A_406] {strides = array<i32>} : memref<4x104x128xf32, #tpu.memory_space<vmem>>, vector<1x1x16xf32>,
      %swap3A_408 = vector.shape_cast %swap3A_407 : vector<1x1x16xf32> to vector<16xf32>
      %swap3A_409 = vector.shape_cast %add3A_403 : vector<16xf32> to vector<1x1x16xf32>
      tpu.vector_store %arg12[%swap3A_404, %swap3A_405, %swap3A_406], %swap3A_409 {strides = array<i32>} : memref<4x104x128xf32, #tpu.memory_space<vmem>>, vector<1x1x16xf32>,
      %get3A_410 = arith.constant 2 : i32
      %get3A_411 = arith.index_cast %get3A_410 : i32 to index
      %get3A_412 = arith.index_cast %scan3A_390 : i32 to index
      %get3A_413 = arith.constant 16 : index
      %get3A_414 = tpu.vector_load %arg12[%get3A_411, %get3A_412, %get3A_413] {strides = array<i32>} : memref<4x104x128xf32, #tpu.memory_space<vmem>>, vector<1x1x16xf32>,
      %get3A_415 = vector.shape_cast %get3A_414 : vector<1x1x16xf32> to vector<16xf32>
      %get3A_416 = arith.constant 2 : i32
      %get3A_417 = arith.index_cast %get3A_416 : i32 to index
      %get3A_418 = arith.index_cast %scan3A_390 : i32 to index
      %get3A_419 = arith.constant 16 : index
      %get3A_420 = tpu.vector_load %arg13[%get3A_417, %get3A_418, %get3A_419] {strides = array<i32>} : memref<4x104x128xf32, #tpu.memory_space<vmem>>, vector<1x1x16xf32>,
      %get3A_421 = vector.shape_cast %get3A_420 : vector<1x1x16xf32> to vector<16xf32>
      %add3A_422 = arith.addf %get3A_415, %get3A_421 : vector<16xf32>
      %swap3A_423 = arith.constant 2 : i32
      %swap3A_424 = arith.index_cast %swap3A_423 : i32 to index
      %swap3A_425 = arith.index_cast %scan3A_390 : i32 to index
      %swap3A_426 = arith.constant 16 : index
      %swap3A_427 = tpu.vector_load %arg12[%swap3A_424, %swap3A_425, %swap3A_426] {strides = array<i32>} : memref<4x104x128xf32, #tpu.memory_space<vmem>>, vector<1x1x16xf32>,
      %swap3A_428 = vector.shape_cast %swap3A_427 : vector<1x1x16xf32> to vector<16xf32>
      %swap3A_429 = vector.shape_cast %add3A_422 : vector<16xf32> to vector<1x1x16xf32>
      tpu.vector_store %arg12[%swap3A_424, %swap3A_425, %swap3A_426], %swap3A_429 {strides = array<i32>} : memref<4x104x128xf32, #tpu.memory_space<vmem>>, vector<1x1x16xf32>,
      %get3A_430 = arith.constant 2 : i32
      %get3A_431 = arith.index_cast %get3A_430 : i32 to index
      %get3A_432 = arith.index_cast %scan3A_390 : i32 to index
      %get3A_433 = arith.constant 32 : index
      %get3A_434 = tpu.vector_load %arg12[%get3A_431, %get3A_432, %get3A_433] {strides = array<i32>} : memref<4x104x128xf32, #tpu.memory_space<vmem>>, vector<1x1x16xf32>,
      %get3A_435 = vector.shape_cast %get3A_434 : vector<1x1x16xf32> to vector<16xf32>
      %get3A_436 = arith.constant 2 : i32
      %get3A_437 = arith.index_cast %get3A_436 : i32 to index
      %get3A_438 = arith.index_cast %scan3A_390 : i32 to index
      %get3A_439 = arith.constant 32 : index
      %get3A_440 = tpu.vector_load %arg13[%get3A_437, %get3A_438, %get3A_439] {strides = array<i32>} : memref<4x104x128xf32, #tpu.memory_space<vmem>>, vector<1x1x16xf32>,
      %get3A_441 = vector.shape_cast %get3A_440 : vector<1x1x16xf32> to vector<16xf32>
      %add3A_442 = arith.addf %get3A_435, %get3A_441 : vector<16xf32>
      %swap3A_443 = arith.constant 2 : i32
      %swap3A_444 = arith.index_cast %swap3A_443 : i32 to index
      %swap3A_445 = arith.index_cast %scan3A_390 : i32 to index
      %swap3A_446 = arith.constant 32 : index
      %swap3A_447 = tpu.vector_load %arg12[%swap3A_444, %swap3A_445, %swap3A_446] {strides = array<i32>} : memref<4x104x128xf32, #tpu.memory_space<vmem>>, vector<1x1x16xf32>,
      %swap3A_448 = vector.shape_cast %swap3A_447 : vector<1x1x16xf32> to vector<16xf32>
      %swap3A_449 = vector.shape_cast %add3A_442 : vector<16xf32> to vector<1x1x16xf32>
      tpu.vector_store %arg12[%swap3A_444, %swap3A_445, %swap3A_446], %swap3A_449 {strides = array<i32>} : memref<4x104x128xf32, #tpu.memory_space<vmem>>, vector<1x1x16xf32>,
      %get3A_450 = arith.constant 2 : i32
      %get3A_451 = arith.index_cast %get3A_450 : i32 to index
      %get3A_452 = arith.index_cast %scan3A_390 : i32 to index
      %get3A_453 = arith.constant 48 : index
      %get3A_454 = tpu.vector_load %arg12[%get3A_451, %get3A_452, %get3A_453] {strides = array<i32>} : memref<4x104x128xf32, #tpu.memory_space<vmem>>, vector<1x1x16xf32>,
      %get3A_455 = vector.shape_cast %get3A_454 : vector<1x1x16xf32> to vector<16xf32>
      %get3A_456 = arith.constant 2 : i32
      %get3A_457 = arith.index_cast %get3A_456 : i32 to index
      %get3A_458 = arith.index_cast %scan3A_390 : i32 to index
      %get3A_459 = arith.constant 48 : index
      %get3A_460 = tpu.vector_load %arg13[%get3A_457, %get3A_458, %get3A_459] {strides = array<i32>} : memref<4x104x128xf32, #tpu.memory_space<vmem>>, vector<1x1x16xf32>,
      %get3A_461 = vector.shape_cast %get3A_460 : vector<1x1x16xf32> to vector<16xf32>
      %add3A_462 = arith.addf %get3A_455, %get3A_461 : vector<16xf32>
      %swap3A_463 = arith.constant 2 : i32
      %swap3A_464 = arith.index_cast %swap3A_463 : i32 to index
      %swap3A_465 = arith.index_cast %scan3A_390 : i32 to index
      %swap3A_466 = arith.constant 48 : index
      %swap3A_467 = tpu.vector_load %arg12[%swap3A_464, %swap3A_465, %swap3A_466] {strides = array<i32>} : memref<4x104x128xf32, #tpu.memory_space<vmem>>, vector<1x1x16xf32>,
      %swap3A_468 = vector.shape_cast %swap3A_467 : vector<1x1x16xf32> to vector<16xf32>
      %swap3A_469 = vector.shape_cast %add3A_462 : vector<16xf32> to vector<1x1x16xf32>
      tpu.vector_store %arg12[%swap3A_464, %swap3A_465, %swap3A_466], %swap3A_469 {strides = array<i32>} : memref<4x104x128xf32, #tpu.memory_space<vmem>>, vector<1x1x16xf32>,
      %get3A_470 = arith.constant 2 : i32
      %get3A_471 = arith.index_cast %get3A_470 : i32 to index
      %get3A_472 = arith.index_cast %scan3A_390 : i32 to index
      %get3A_473 = arith.constant 64 : index
      %get3A_474 = tpu.vector_load %arg12[%get3A_471, %get3A_472, %get3A_473] {strides = array<i32>} : memref<4x104x128xf32, #tpu.memory_space<vmem>>, vector<1x1x16xf32>,
      %get3A_475 = vector.shape_cast %get3A_474 : vector<1x1x16xf32> to vector<16xf32>
      %get3A_476 = arith.constant 2 : i32
      %get3A_477 = arith.index_cast %get3A_476 : i32 to index
      %get3A_478 = arith.index_cast %scan3A_390 : i32 to index
      %get3A_479 = arith.constant 64 : index
      %get3A_480 = tpu.vector_load %arg13[%get3A_477, %get3A_478, %get3A_479] {strides = array<i32>} : memref<4x104x128xf32, #tpu.memory_space<vmem>>, vector<1x1x16xf32>,
      %get3A_481 = vector.shape_cast %get3A_480 : vector<1x1x16xf32> to vector<16xf32>
      %add3A_482 = arith.addf %get3A_475, %get3A_481 : vector<16xf32>
      %swap3A_483 = arith.constant 2 : i32
      %swap3A_484 = arith.index_cast %swap3A_483 : i32 to index
      %swap3A_485 = arith.index_cast %scan3A_390 : i32 to index
      %swap3A_486 = arith.constant 64 : index
      %swap3A_487 = tpu.vector_load %arg12[%swap3A_484, %swap3A_485, %swap3A_486] {strides = array<i32>} : memref<4x104x128xf32, #tpu.memory_space<vmem>>, vector<1x1x16xf32>,
      %swap3A_488 = vector.shape_cast %swap3A_487 : vector<1x1x16xf32> to vector<16xf32>
      %swap3A_489 = vector.shape_cast %add3A_482 : vector<16xf32> to vector<1x1x16xf32>
      tpu.vector_store %arg12[%swap3A_484, %swap3A_485, %swap3A_486], %swap3A_489 {strides = array<i32>} : memref<4x104x128xf32, #tpu.memory_space<vmem>>, vector<1x1x16xf32>,
      %get3A_490 = arith.constant 2 : i32
      %get3A_491 = arith.index_cast %get3A_490 : i32 to index
      %get3A_492 = arith.index_cast %scan3A_390 : i32 to index
      %get3A_493 = arith.constant 80 : index
      %get3A_494 = tpu.vector_load %arg12[%get3A_491, %get3A_492, %get3A_493] {strides = array<i32>} : memref<4x104x128xf32, #tpu.memory_space<vmem>>, vector<1x1x16xf32>,
      %get3A_495 = vector.shape_cast %get3A_494 : vector<1x1x16xf32> to vector<16xf32>
      %get3A_496 = arith.constant 2 : i32
      %get3A_497 = arith.index_cast %get3A_496 : i32 to index
      %get3A_498 = arith.index_cast %scan3A_390 : i32 to index
      %get3A_499 = arith.constant 80 : index
      %get3A_500 = tpu.vector_load %arg13[%get3A_497, %get3A_498, %get3A_499] {strides = array<i32>} : memref<4x104x128xf32, #tpu.memory_space<vmem>>, vector<1x1x16xf32>,
      %get3A_501 = vector.shape_cast %get3A_500 : vector<1x1x16xf32> to vector<16xf32>
      %add3A_502 = arith.addf %get3A_495, %get3A_501 : vector<16xf32>
      %swap3A_503 = arith.constant 2 : i32
      %swap3A_504 = arith.index_cast %swap3A_503 : i32 to index
      %swap3A_505 = arith.index_cast %scan3A_390 : i32 to index
      %swap3A_506 = arith.constant 80 : index
      %swap3A_507 = tpu.vector_load %arg12[%swap3A_504, %swap3A_505, %swap3A_506] {strides = array<i32>} : memref<4x104x128xf32, #tpu.memory_space<vmem>>, vector<1x1x16xf32>,
      %swap3A_508 = vector.shape_cast %swap3A_507 : vector<1x1x16xf32> to vector<16xf32>
      %swap3A_509 = vector.shape_cast %add3A_502 : vector<16xf32> to vector<1x1x16xf32>
      tpu.vector_store %arg12[%swap3A_504, %swap3A_505, %swap3A_506], %swap3A_509 {strides = array<i32>} : memref<4x104x128xf32, #tpu.memory_space<vmem>>, vector<1x1x16xf32>,
      %get3A_510 = arith.constant 2 : i32
      %get3A_511 = arith.index_cast %get3A_510 : i32 to index
      %get3A_512 = arith.index_cast %scan3A_390 : i32 to index
      %get3A_513 = arith.constant 96 : index
      %get3A_514 = tpu.vector_load %arg12[%get3A_511, %get3A_512, %get3A_513] {strides = array<i32>} : memref<4x104x128xf32, #tpu.memory_space<vmem>>, vector<1x1x16xf32>,
      %get3A_515 = vector.shape_cast %get3A_514 : vector<1x1x16xf32> to vector<16xf32>
      %get3A_516 = arith.constant 2 : i32
      %get3A_517 = arith.index_cast %get3A_516 : i32 to index
      %get3A_518 = arith.index_cast %scan3A_390 : i32 to index
      %get3A_519 = arith.constant 96 : index
      %get3A_520 = tpu.vector_load %arg13[%get3A_517, %get3A_518, %get3A_519] {strides = array<i32>} : memref<4x104x128xf32, #tpu.memory_space<vmem>>, vector<1x1x16xf32>,
      %get3A_521 = vector.shape_cast %get3A_520 : vector<1x1x16xf32> to vector<16xf32>
      %add3A_522 = arith.addf %get3A_515, %get3A_521 : vector<16xf32>
      %swap3A_523 = arith.constant 2 : i32
      %swap3A_524 = arith.index_cast %swap3A_523 : i32 to index
      %swap3A_525 = arith.index_cast %scan3A_390 : i32 to index
      %swap3A_526 = arith.constant 96 : index
      %swap3A_527 = tpu.vector_load %arg12[%swap3A_524, %swap3A_525, %swap3A_526] {strides = array<i32>} : memref<4x104x128xf32, #tpu.memory_space<vmem>>, vector<1x1x16xf32>,
      %swap3A_528 = vector.shape_cast %swap3A_527 : vector<1x1x16xf32> to vector<16xf32>
      %swap3A_529 = vector.shape_cast %add3A_522 : vector<16xf32> to vector<1x1x16xf32>
      tpu.vector_store %arg12[%swap3A_524, %swap3A_525, %swap3A_526], %swap3A_529 {strides = array<i32>} : memref<4x104x128xf32, #tpu.memory_space<vmem>>, vector<1x1x16xf32>,
      %get3A_530 = arith.constant 2 : i32
      %get3A_531 = arith.index_cast %get3A_530 : i32 to index
      %get3A_532 = arith.index_cast %scan3A_390 : i32 to index
      %get3A_533 = arith.constant 112 : index
      %get3A_534 = tpu.vector_load %arg12[%get3A_531, %get3A_532, %get3A_533] {strides = array<i32>} : memref<4x104x128xf32, #tpu.memory_space<vmem>>, vector<1x1x16xf32>,
      %get3A_535 = vector.shape_cast %get3A_534 : vector<1x1x16xf32> to vector<16xf32>
      %get3A_536 = arith.constant 2 : i32
      %get3A_537 = arith.index_cast %get3A_536 : i32 to index
      %get3A_538 = arith.index_cast %scan3A_390 : i32 to index
      %get3A_539 = arith.constant 112 : index
      %get3A_540 = tpu.vector_load %arg13[%get3A_537, %get3A_538, %get3A_539] {strides = array<i32>} : memref<4x104x128xf32, #tpu.memory_space<vmem>>, vector<1x1x16xf32>,
      %get3A_541 = vector.shape_cast %get3A_540 : vector<1x1x16xf32> to vector<16xf32>
      %add3A_542 = arith.addf %get3A_535, %get3A_541 : vector<16xf32>
      %swap3A_543 = arith.constant 2 : i32
      %swap3A_544 = arith.index_cast %swap3A_543 : i32 to index
      %swap3A_545 = arith.index_cast %scan3A_390 : i32 to index
      %swap3A_546 = arith.constant 112 : index
      %swap3A_547 = tpu.vector_load %arg12[%swap3A_544, %swap3A_545, %swap3A_546] {strides = array<i32>} : memref<4x104x128xf32, #tpu.memory_space<vmem>>, vector<1x1x16xf32>,
      %swap3A_548 = vector.shape_cast %swap3A_547 : vector<1x1x16xf32> to vector<16xf32>
      %swap3A_549 = vector.shape_cast %add3A_542 : vector<16xf32> to vector<1x1x16xf32>
      tpu.vector_store %arg12[%swap3A_544, %swap3A_545, %swap3A_546], %swap3A_549 {strides = array<i32>} : memref<4x104x128xf32, #tpu.memory_space<vmem>>, vector<1x1x16xf32>,
      %scan3A_550 = arith.constant 0 : i32
      scf.yield %scan3A_550 : i32
    }
    %scan3A_296 = arith.constant 104 : i32
    %mul3A_297 = arith.constant 4 : i32
    %mul3A_298 = arith.muli %add3A, %mul3A_297 : i32
    %add3A_299 = arith.constant 2 : i32
    %add3A_300 = arith.addi %mul3A_298, %add3A_299 : i32
    %run_scoped3A_301 = arith.constant 2 : i32
    "tpu.region"() ({
      %run_scoped3A_390 = tpu.sem_alloc : memref<!tpu.dma_semaphore, #tpu.memory_space<semaphore_mem>>
      %dma_start3A_391 = arith.constant 0 : i32
      %dma_start3A_392 = tpu.memref_slice %arg11[%run_scoped3A_301, %dma_start3A_391] : memref<4x104xi32, #tpu.memory_space<vmem>> -> memref<1x104xi32, #tpu.memory_space<vmem>>
      %dma_start3A_393 = tpu.memref_squeeze %dma_start3A_392 : memref<1x104xi32, #tpu.memory_space<vmem>> -> memref<104xi32, #tpu.memory_space<vmem>>
      %dma_start3A_394 = arith.constant 0 : i32
      %dma_start3A_395 = tpu.memref_slice %arg7[%add3A_300, %dma_start3A_394] : memref<128x104xi32, #tpu.memory_space<hbm>> -> memref<1x104xi32, #tpu.memory_space<hbm>>
      %dma_start3A_396 = tpu.memref_squeeze %dma_start3A_395 : memref<1x104xi32, #tpu.memory_space<hbm>> -> memref<104xi32, #tpu.memory_space<hbm>>
      %dma_start3A_397 = arith.constant 0 : i32
      %dma_start3A_398 = tpu.memref_slice %arg11[%run_scoped3A_301, %dma_start3A_397] : memref<4x104xi32, #tpu.memory_space<vmem>> -> memref<1x104xi32, #tpu.memory_space<vmem>>
      %dma_start3A_399 = tpu.memref_squeeze %dma_start3A_398 : memref<1x104xi32, #tpu.memory_space<vmem>> -> memref<104xi32, #tpu.memory_space<vmem>>
      %dma_start3A_400 = arith.constant 0 : i32
      %dma_start3A_401 = tpu.memref_slice %arg7[%add3A_300, %dma_start3A_400] : memref<128x104xi32, #tpu.memory_space<hbm>> -> memref<1x104xi32, #tpu.memory_space<hbm>>
      %dma_start3A_402 = tpu.memref_squeeze %dma_start3A_401 : memref<1x104xi32, #tpu.memory_space<hbm>> -> memref<104xi32, #tpu.memory_space<hbm>>
      tpu.enqueue_dma source(%dma_start3A_402 : memref<104xi32, #tpu.memory_space<hbm>>) target(%dma_start3A_399 : memref<104xi32, #tpu.memory_space<vmem>>) target_semaphore(%run_scoped3A_390 : memref<!tpu.dma_semaphore, #tpu.memory_space<semaphore_mem>>)
      %dma_wait3A_403 = arith.constant 0 : i32
      %dma_wait3A_404 = tpu.memref_slice %arg11[%run_scoped3A_301, %dma_wait3A_403] : memref<4x104xi32, #tpu.memory_space<vmem>> -> memref<1x104xi32, #tpu.memory_space<vmem>>
      %dma_wait3A_405 = tpu.memref_squeeze %dma_wait3A_404 : memref<1x104xi32, #tpu.memory_space<vmem>> -> memref<104xi32, #tpu.memory_space<vmem>>
      %dma_wait3A_406 = arith.constant 0 : i32
      %dma_wait3A_407 = tpu.memref_slice %arg7[%add3A_300, %dma_wait3A_406] : memref<128x104xi32, #tpu.memory_space<hbm>> -> memref<1x104xi32, #tpu.memory_space<hbm>>
      %dma_wait3A_408 = tpu.memref_squeeze %dma_wait3A_407 : memref<1x104xi32, #tpu.memory_space<hbm>> -> memref<104xi32, #tpu.memory_space<hbm>>
      %dma_wait3A_409 = arith.constant 0 : i32
      %dma_wait3A_410 = tpu.memref_slice %arg11[%run_scoped3A_301, %dma_wait3A_409] : memref<4x104xi32, #tpu.memory_space<vmem>> -> memref<1x104xi32, #tpu.memory_space<vmem>>
      %dma_wait3A_411 = tpu.memref_squeeze %dma_wait3A_410 : memref<1x104xi32, #tpu.memory_space<vmem>> -> memref<104xi32, #tpu.memory_space<vmem>>
      %dma_wait3A_412 = arith.constant 0 : i32
      %dma_wait3A_413 = tpu.memref_slice %arg7[%add3A_300, %dma_wait3A_412] : memref<128x104xi32, #tpu.memory_space<hbm>> -> memref<1x104xi32, #tpu.memory_space<hbm>>
      %dma_wait3A_414 = tpu.memref_squeeze %dma_wait3A_413 : memref<1x104xi32, #tpu.memory_space<hbm>> -> memref<104xi32, #tpu.memory_space<hbm>>
      tpu.wait_dma2 semaphore(%run_scoped3A_390 : memref<!tpu.dma_semaphore, #tpu.memory_space<semaphore_mem>>) src(%dma_wait3A_414 : memref<104xi32, #tpu.memory_space<hbm>>) dst(%dma_wait3A_411 : memref<104xi32, #tpu.memory_space<vmem>>)
      tpu.yield
    }) : () -> ()
    %dma_start3A_302 = arith.constant 2 : i32
    %dma_start3A_303 = arith.constant 2 : i32
    %dma_start3A_304 = arith.constant 0 : i32
    %dma_start3A_305 = arith.constant 0 : i32
    %dma_start3A_306 = tpu.memref_slice %arg12[%dma_start3A_302, %dma_start3A_304, %dma_start3A_305] : memref<4x104x128xf32, #tpu.memory_space<vmem>> -> memref<1x104x128xf32, #tpu.memory_space<vmem>>
    %dma_start3A_307 = tpu.memref_squeeze %dma_start3A_306 : memref<1x104x128xf32, #tpu.memory_space<vmem>> -> memref<104x128xf32, #tpu.memory_space<vmem>>
    %dma_start3A_308 = arith.constant 0 : i32
    %dma_start3A_309 = tpu.memref_slice %arg11[%dma_start3A_303, %dma_start3A_308] : memref<4x104xi32, #tpu.memory_space<vmem>> -> memref<1x104xi32, #tpu.memory_space<vmem>>
    %dma_start3A_310 = tpu.memref_squeeze %dma_start3A_309 : memref<1x104xi32, #tpu.memory_space<vmem>> -> memref<104xi32, #tpu.memory_space<vmem>>
    %dma_start3A_311 = arith.constant 0 : i32
    %dma_start3A_312 = arith.constant 0 : i32
    %dma_start3A_313 = tpu.memref_slice %arg8[%dma_start3A_311, %dma_start3A_312] : memref<14336x128xf32, #tpu.memory_space<hbm>> -> memref<14336x128xf32, #tpu.memory_space<hbm>>
    tpu.enqueue_indirect_dma source(%dma_start3A_307 : memref<104x128xf32, #tpu.memory_space<vmem>>) target(%dma_start3A_313 : memref<14336x128xf32, #tpu.memory_space<hbm>>) offsets(%dma_start3A_310 : memref<104xi32, #tpu.memory_space<vmem>>) semaphore(%arg18 : memref<!tpu.dma_semaphore, #tpu.memory_space<semaphore_mem>>)
    %scan3A_314 = arith.constant 0 : i32
    %scan3A_315 = arith.constant 0 : i32
    %scan3A_316 = arith.constant 104 : i32
    %scan3A_317 = arith.addi %scan3A_315, %scan3A_316 : i32
    %scan3A_318 = arith.constant 1 : i32
    %scan3A_319 = scf.for %scan3A_390 = %scan3A_315 to %scan3A_317 step %scan3A_318 iter_args(%scan3A_391 = %scan3A_314) -> (i32)  : i32 {
      %get3A = arith.constant 3 : i32
      %get3A_392 = arith.index_cast %get3A : i32 to index
      %get3A_393 = arith.index_cast %scan3A_390 : i32 to index
      %get3A_394 = arith.constant 0 : index
      %get3A_395 = tpu.vector_load %arg12[%get3A_392, %get3A_393, %get3A_394] {strides = array<i32>} : memref<4x104x128xf32, #tpu.memory_space<vmem>>, vector<1x1x16xf32>,
      %get3A_396 = vector.shape_cast %get3A_395 : vector<1x1x16xf32> to vector<16xf32>
      %get3A_397 = arith.constant 3 : i32
      %get3A_398 = arith.index_cast %get3A_397 : i32 to index
      %get3A_399 = arith.index_cast %scan3A_390 : i32 to index
      %get3A_400 = arith.constant 0 : index
      %get3A_401 = tpu.vector_load %arg13[%get3A_398, %get3A_399, %get3A_400] {strides = array<i32>} : memref<4x104x128xf32, #tpu.memory_space<vmem>>, vector<1x1x16xf32>,
      %get3A_402 = vector.shape_cast %get3A_401 : vector<1x1x16xf32> to vector<16xf32>
      %add3A_403 = arith.addf %get3A_396, %get3A_402 : vector<16xf32>
      %swap3A = arith.constant 3 : i32
      %swap3A_404 = arith.index_cast %swap3A : i32 to index
      %swap3A_405 = arith.index_cast %scan3A_390 : i32 to index
      %swap3A_406 = arith.constant 0 : index
      %swap3A_407 = tpu.vector_load %arg12[%swap3A_404, %swap3A_405, %swap3A_406] {strides = array<i32>} : memref<4x104x128xf32, #tpu.memory_space<vmem>>, vector<1x1x16xf32>,
      %swap3A_408 = vector.shape_cast %swap3A_407 : vector<1x1x16xf32> to vector<16xf32>
      %swap3A_409 = vector.shape_cast %add3A_403 : vector<16xf32> to vector<1x1x16xf32>
      tpu.vector_store %arg12[%swap3A_404, %swap3A_405, %swap3A_406], %swap3A_409 {strides = array<i32>} : memref<4x104x128xf32, #tpu.memory_space<vmem>>, vector<1x1x16xf32>,
      %get3A_410 = arith.constant 3 : i32
      %get3A_411 = arith.index_cast %get3A_410 : i32 to index
      %get3A_412 = arith.index_cast %scan3A_390 : i32 to index
      %get3A_413 = arith.constant 16 : index
      %get3A_414 = tpu.vector_load %arg12[%get3A_411, %get3A_412, %get3A_413] {strides = array<i32>} : memref<4x104x128xf32, #tpu.memory_space<vmem>>, vector<1x1x16xf32>,
      %get3A_415 = vector.shape_cast %get3A_414 : vector<1x1x16xf32> to vector<16xf32>
      %get3A_416 = arith.constant 3 : i32
      %get3A_417 = arith.index_cast %get3A_416 : i32 to index
      %get3A_418 = arith.index_cast %scan3A_390 : i32 to index
      %get3A_419 = arith.constant 16 : index
      %get3A_420 = tpu.vector_load %arg13[%get3A_417, %get3A_418, %get3A_419] {strides = array<i32>} : memref<4x104x128xf32, #tpu.memory_space<vmem>>, vector<1x1x16xf32>,
      %get3A_421 = vector.shape_cast %get3A_420 : vector<1x1x16xf32> to vector<16xf32>
      %add3A_422 = arith.addf %get3A_415, %get3A_421 : vector<16xf32>
      %swap3A_423 = arith.constant 3 : i32
      %swap3A_424 = arith.index_cast %swap3A_423 : i32 to index
      %swap3A_425 = arith.index_cast %scan3A_390 : i32 to index
      %swap3A_426 = arith.constant 16 : index
      %swap3A_427 = tpu.vector_load %arg12[%swap3A_424, %swap3A_425, %swap3A_426] {strides = array<i32>} : memref<4x104x128xf32, #tpu.memory_space<vmem>>, vector<1x1x16xf32>,
      %swap3A_428 = vector.shape_cast %swap3A_427 : vector<1x1x16xf32> to vector<16xf32>
      %swap3A_429 = vector.shape_cast %add3A_422 : vector<16xf32> to vector<1x1x16xf32>
      tpu.vector_store %arg12[%swap3A_424, %swap3A_425, %swap3A_426], %swap3A_429 {strides = array<i32>} : memref<4x104x128xf32, #tpu.memory_space<vmem>>, vector<1x1x16xf32>,
      %get3A_430 = arith.constant 3 : i32
      %get3A_431 = arith.index_cast %get3A_430 : i32 to index
      %get3A_432 = arith.index_cast %scan3A_390 : i32 to index
      %get3A_433 = arith.constant 32 : index
      %get3A_434 = tpu.vector_load %arg12[%get3A_431, %get3A_432, %get3A_433] {strides = array<i32>} : memref<4x104x128xf32, #tpu.memory_space<vmem>>, vector<1x1x16xf32>,
      %get3A_435 = vector.shape_cast %get3A_434 : vector<1x1x16xf32> to vector<16xf32>
      %get3A_436 = arith.constant 3 : i32
      %get3A_437 = arith.index_cast %get3A_436 : i32 to index
      %get3A_438 = arith.index_cast %scan3A_390 : i32 to index
      %get3A_439 = arith.constant 32 : index
      %get3A_440 = tpu.vector_load %arg13[%get3A_437, %get3A_438, %get3A_439] {strides = array<i32>} : memref<4x104x128xf32, #tpu.memory_space<vmem>>, vector<1x1x16xf32>,
      %get3A_441 = vector.shape_cast %get3A_440 : vector<1x1x16xf32> to vector<16xf32>
      %add3A_442 = arith.addf %get3A_435, %get3A_441 : vector<16xf32>
      %swap3A_443 = arith.constant 3 : i32
      %swap3A_444 = arith.index_cast %swap3A_443 : i32 to index
      %swap3A_445 = arith.index_cast %scan3A_390 : i32 to index
      %swap3A_446 = arith.constant 32 : index
      %swap3A_447 = tpu.vector_load %arg12[%swap3A_444, %swap3A_445, %swap3A_446] {strides = array<i32>} : memref<4x104x128xf32, #tpu.memory_space<vmem>>, vector<1x1x16xf32>,
      %swap3A_448 = vector.shape_cast %swap3A_447 : vector<1x1x16xf32> to vector<16xf32>
      %swap3A_449 = vector.shape_cast %add3A_442 : vector<16xf32> to vector<1x1x16xf32>
      tpu.vector_store %arg12[%swap3A_444, %swap3A_445, %swap3A_446], %swap3A_449 {strides = array<i32>} : memref<4x104x128xf32, #tpu.memory_space<vmem>>, vector<1x1x16xf32>,
      %get3A_450 = arith.constant 3 : i32
      %get3A_451 = arith.index_cast %get3A_450 : i32 to index
      %get3A_452 = arith.index_cast %scan3A_390 : i32 to index
      %get3A_453 = arith.constant 48 : index
      %get3A_454 = tpu.vector_load %arg12[%get3A_451, %get3A_452, %get3A_453] {strides = array<i32>} : memref<4x104x128xf32, #tpu.memory_space<vmem>>, vector<1x1x16xf32>,
      %get3A_455 = vector.shape_cast %get3A_454 : vector<1x1x16xf32> to vector<16xf32>
      %get3A_456 = arith.constant 3 : i32
      %get3A_457 = arith.index_cast %get3A_456 : i32 to index
      %get3A_458 = arith.index_cast %scan3A_390 : i32 to index
      %get3A_459 = arith.constant 48 : index
      %get3A_460 = tpu.vector_load %arg13[%get3A_457, %get3A_458, %get3A_459] {strides = array<i32>} : memref<4x104x128xf32, #tpu.memory_space<vmem>>, vector<1x1x16xf32>,
      %get3A_461 = vector.shape_cast %get3A_460 : vector<1x1x16xf32> to vector<16xf32>
      %add3A_462 = arith.addf %get3A_455, %get3A_461 : vector<16xf32>
      %swap3A_463 = arith.constant 3 : i32
      %swap3A_464 = arith.index_cast %swap3A_463 : i32 to index
      %swap3A_465 = arith.index_cast %scan3A_390 : i32 to index
      %swap3A_466 = arith.constant 48 : index
      %swap3A_467 = tpu.vector_load %arg12[%swap3A_464, %swap3A_465, %swap3A_466] {strides = array<i32>} : memref<4x104x128xf32, #tpu.memory_space<vmem>>, vector<1x1x16xf32>,
      %swap3A_468 = vector.shape_cast %swap3A_467 : vector<1x1x16xf32> to vector<16xf32>
      %swap3A_469 = vector.shape_cast %add3A_462 : vector<16xf32> to vector<1x1x16xf32>
      tpu.vector_store %arg12[%swap3A_464, %swap3A_465, %swap3A_466], %swap3A_469 {strides = array<i32>} : memref<4x104x128xf32, #tpu.memory_space<vmem>>, vector<1x1x16xf32>,
      %get3A_470 = arith.constant 3 : i32
      %get3A_471 = arith.index_cast %get3A_470 : i32 to index
      %get3A_472 = arith.index_cast %scan3A_390 : i32 to index
      %get3A_473 = arith.constant 64 : index
      %get3A_474 = tpu.vector_load %arg12[%get3A_471, %get3A_472, %get3A_473] {strides = array<i32>} : memref<4x104x128xf32, #tpu.memory_space<vmem>>, vector<1x1x16xf32>,
      %get3A_475 = vector.shape_cast %get3A_474 : vector<1x1x16xf32> to vector<16xf32>
      %get3A_476 = arith.constant 3 : i32
      %get3A_477 = arith.index_cast %get3A_476 : i32 to index
      %get3A_478 = arith.index_cast %scan3A_390 : i32 to index
      %get3A_479 = arith.constant 64 : index
      %get3A_480 = tpu.vector_load %arg13[%get3A_477, %get3A_478, %get3A_479] {strides = array<i32>} : memref<4x104x128xf32, #tpu.memory_space<vmem>>, vector<1x1x16xf32>,
      %get3A_481 = vector.shape_cast %get3A_480 : vector<1x1x16xf32> to vector<16xf32>
      %add3A_482 = arith.addf %get3A_475, %get3A_481 : vector<16xf32>
      %swap3A_483 = arith.constant 3 : i32
      %swap3A_484 = arith.index_cast %swap3A_483 : i32 to index
      %swap3A_485 = arith.index_cast %scan3A_390 : i32 to index
      %swap3A_486 = arith.constant 64 : index
      %swap3A_487 = tpu.vector_load %arg12[%swap3A_484, %swap3A_485, %swap3A_486] {strides = array<i32>} : memref<4x104x128xf32, #tpu.memory_space<vmem>>, vector<1x1x16xf32>,
      %swap3A_488 = vector.shape_cast %swap3A_487 : vector<1x1x16xf32> to vector<16xf32>
      %swap3A_489 = vector.shape_cast %add3A_482 : vector<16xf32> to vector<1x1x16xf32>
      tpu.vector_store %arg12[%swap3A_484, %swap3A_485, %swap3A_486], %swap3A_489 {strides = array<i32>} : memref<4x104x128xf32, #tpu.memory_space<vmem>>, vector<1x1x16xf32>,
      %get3A_490 = arith.constant 3 : i32
      %get3A_491 = arith.index_cast %get3A_490 : i32 to index
      %get3A_492 = arith.index_cast %scan3A_390 : i32 to index
      %get3A_493 = arith.constant 80 : index
      %get3A_494 = tpu.vector_load %arg12[%get3A_491, %get3A_492, %get3A_493] {strides = array<i32>} : memref<4x104x128xf32, #tpu.memory_space<vmem>>, vector<1x1x16xf32>,
      %get3A_495 = vector.shape_cast %get3A_494 : vector<1x1x16xf32> to vector<16xf32>
      %get3A_496 = arith.constant 3 : i32
      %get3A_497 = arith.index_cast %get3A_496 : i32 to index
      %get3A_498 = arith.index_cast %scan3A_390 : i32 to index
      %get3A_499 = arith.constant 80 : index
      %get3A_500 = tpu.vector_load %arg13[%get3A_497, %get3A_498, %get3A_499] {strides = array<i32>} : memref<4x104x128xf32, #tpu.memory_space<vmem>>, vector<1x1x16xf32>,
      %get3A_501 = vector.shape_cast %get3A_500 : vector<1x1x16xf32> to vector<16xf32>
      %add3A_502 = arith.addf %get3A_495, %get3A_501 : vector<16xf32>
      %swap3A_503 = arith.constant 3 : i32
      %swap3A_504 = arith.index_cast %swap3A_503 : i32 to index
      %swap3A_505 = arith.index_cast %scan3A_390 : i32 to index
      %swap3A_506 = arith.constant 80 : index
      %swap3A_507 = tpu.vector_load %arg12[%swap3A_504, %swap3A_505, %swap3A_506] {strides = array<i32>} : memref<4x104x128xf32, #tpu.memory_space<vmem>>, vector<1x1x16xf32>,
      %swap3A_508 = vector.shape_cast %swap3A_507 : vector<1x1x16xf32> to vector<16xf32>
      %swap3A_509 = vector.shape_cast %add3A_502 : vector<16xf32> to vector<1x1x16xf32>
      tpu.vector_store %arg12[%swap3A_504, %swap3A_505, %swap3A_506], %swap3A_509 {strides = array<i32>} : memref<4x104x128xf32, #tpu.memory_space<vmem>>, vector<1x1x16xf32>,
      %get3A_510 = arith.constant 3 : i32
      %get3A_511 = arith.index_cast %get3A_510 : i32 to index
      %get3A_512 = arith.index_cast %scan3A_390 : i32 to index
      %get3A_513 = arith.constant 96 : index
      %get3A_514 = tpu.vector_load %arg12[%get3A_511, %get3A_512, %get3A_513] {strides = array<i32>} : memref<4x104x128xf32, #tpu.memory_space<vmem>>, vector<1x1x16xf32>,
      %get3A_515 = vector.shape_cast %get3A_514 : vector<1x1x16xf32> to vector<16xf32>
      %get3A_516 = arith.constant 3 : i32
      %get3A_517 = arith.index_cast %get3A_516 : i32 to index
      %get3A_518 = arith.index_cast %scan3A_390 : i32 to index
      %get3A_519 = arith.constant 96 : index
      %get3A_520 = tpu.vector_load %arg13[%get3A_517, %get3A_518, %get3A_519] {strides = array<i32>} : memref<4x104x128xf32, #tpu.memory_space<vmem>>, vector<1x1x16xf32>,
      %get3A_521 = vector.shape_cast %get3A_520 : vector<1x1x16xf32> to vector<16xf32>
      %add3A_522 = arith.addf %get3A_515, %get3A_521 : vector<16xf32>
      %swap3A_523 = arith.constant 3 : i32
      %swap3A_524 = arith.index_cast %swap3A_523 : i32 to index
      %swap3A_525 = arith.index_cast %scan3A_390 : i32 to index
      %swap3A_526 = arith.constant 96 : index
      %swap3A_527 = tpu.vector_load %arg12[%swap3A_524, %swap3A_525, %swap3A_526] {strides = array<i32>} : memref<4x104x128xf32, #tpu.memory_space<vmem>>, vector<1x1x16xf32>,
      %swap3A_528 = vector.shape_cast %swap3A_527 : vector<1x1x16xf32> to vector<16xf32>
      %swap3A_529 = vector.shape_cast %add3A_522 : vector<16xf32> to vector<1x1x16xf32>
      tpu.vector_store %arg12[%swap3A_524, %swap3A_525, %swap3A_526], %swap3A_529 {strides = array<i32>} : memref<4x104x128xf32, #tpu.memory_space<vmem>>, vector<1x1x16xf32>,
      %get3A_530 = arith.constant 3 : i32
      %get3A_531 = arith.index_cast %get3A_530 : i32 to index
      %get3A_532 = arith.index_cast %scan3A_390 : i32 to index
      %get3A_533 = arith.constant 112 : index
      %get3A_534 = tpu.vector_load %arg12[%get3A_531, %get3A_532, %get3A_533] {strides = array<i32>} : memref<4x104x128xf32, #tpu.memory_space<vmem>>, vector<1x1x16xf32>,
      %get3A_535 = vector.shape_cast %get3A_534 : vector<1x1x16xf32> to vector<16xf32>
      %get3A_536 = arith.constant 3 : i32
      %get3A_537 = arith.index_cast %get3A_536 : i32 to index
      %get3A_538 = arith.index_cast %scan3A_390 : i32 to index
      %get3A_539 = arith.constant 112 : index
      %get3A_540 = tpu.vector_load %arg13[%get3A_537, %get3A_538, %get3A_539] {strides = array<i32>} : memref<4x104x128xf32, #tpu.memory_space<vmem>>, vector<1x1x16xf32>,
      %get3A_541 = vector.shape_cast %get3A_540 : vector<1x1x16xf32> to vector<16xf32>
      %add3A_542 = arith.addf %get3A_535, %get3A_541 : vector<16xf32>
      %swap3A_543 = arith.constant 3 : i32
      %swap3A_544 = arith.index_cast %swap3A_543 : i32 to index
      %swap3A_545 = arith.index_cast %scan3A_390 : i32 to index
      %swap3A_546 = arith.constant 112 : index
      %swap3A_547 = tpu.vector_load %arg12[%swap3A_544, %swap3A_545, %swap3A_546] {strides = array<i32>} : memref<4x104x128xf32, #tpu.memory_space<vmem>>, vector<1x1x16xf32>,
      %swap3A_548 = vector.shape_cast %swap3A_547 : vector<1x1x16xf32> to vector<16xf32>
      %swap3A_549 = vector.shape_cast %add3A_542 : vector<16xf32> to vector<1x1x16xf32>
      tpu.vector_store %arg12[%swap3A_544, %swap3A_545, %swap3A_546], %swap3A_549 {strides = array<i32>} : memref<4x104x128xf32, #tpu.memory_space<vmem>>, vector<1x1x16xf32>,
      %scan3A_550 = arith.constant 0 : i32
      scf.yield %scan3A_550 : i32
    }
    %scan3A_320 = arith.constant 104 : i32
    %mul3A_321 = arith.constant 4 : i32
    %mul3A_322 = arith.muli %add3A, %mul3A_321 : i32
    %add3A_323 = arith.constant 3 : i32
    %add3A_324 = arith.addi %mul3A_322, %add3A_323 : i32
    %run_scoped3A_325 = arith.constant 3 : i32
    "tpu.region"() ({
      %run_scoped3A_390 = tpu.sem_alloc : memref<!tpu.dma_semaphore, #tpu.memory_space<semaphore_mem>>
      %dma_start3A_391 = arith.constant 0 : i32
      %dma_start3A_392 = tpu.memref_slice %arg11[%run_scoped3A_325, %dma_start3A_391] : memref<4x104xi32, #tpu.memory_space<vmem>> -> memref<1x104xi32, #tpu.memory_space<vmem>>
      %dma_start3A_393 = tpu.memref_squeeze %dma_start3A_392 : memref<1x104xi32, #tpu.memory_space<vmem>> -> memref<104xi32, #tpu.memory_space<vmem>>
      %dma_start3A_394 = arith.constant 0 : i32
      %dma_start3A_395 = tpu.memref_slice %arg7[%add3A_324, %dma_start3A_394] : memref<128x104xi32, #tpu.memory_space<hbm>> -> memref<1x104xi32, #tpu.memory_space<hbm>>
      %dma_start3A_396 = tpu.memref_squeeze %dma_start3A_395 : memref<1x104xi32, #tpu.memory_space<hbm>> -> memref<104xi32, #tpu.memory_space<hbm>>
      %dma_start3A_397 = arith.constant 0 : i32
      %dma_start3A_398 = tpu.memref_slice %arg11[%run_scoped3A_325, %dma_start3A_397] : memref<4x104xi32, #tpu.memory_space<vmem>> -> memref<1x104xi32, #tpu.memory_space<vmem>>
      %dma_start3A_399 = tpu.memref_squeeze %dma_start3A_398 : memref<1x104xi32, #tpu.memory_space<vmem>> -> memref<104xi32, #tpu.memory_space<vmem>>
      %dma_start3A_400 = arith.constant 0 : i32
      %dma_start3A_401 = tpu.memref_slice %arg7[%add3A_324, %dma_start3A_400] : memref<128x104xi32, #tpu.memory_space<hbm>> -> memref<1x104xi32, #tpu.memory_space<hbm>>
      %dma_start3A_402 = tpu.memref_squeeze %dma_start3A_401 : memref<1x104xi32, #tpu.memory_space<hbm>> -> memref<104xi32, #tpu.memory_space<hbm>>
      tpu.enqueue_dma source(%dma_start3A_402 : memref<104xi32, #tpu.memory_space<hbm>>) target(%dma_start3A_399 : memref<104xi32, #tpu.memory_space<vmem>>) target_semaphore(%run_scoped3A_390 : memref<!tpu.dma_semaphore, #tpu.memory_space<semaphore_mem>>)
      %dma_wait3A_403 = arith.constant 0 : i32
      %dma_wait3A_404 = tpu.memref_slice %arg11[%run_scoped3A_325, %dma_wait3A_403] : memref<4x104xi32, #tpu.memory_space<vmem>> -> memref<1x104xi32, #tpu.memory_space<vmem>>
      %dma_wait3A_405 = tpu.memref_squeeze %dma_wait3A_404 : memref<1x104xi32, #tpu.memory_space<vmem>> -> memref<104xi32, #tpu.memory_space<vmem>>
      %dma_wait3A_406 = arith.constant 0 : i32
      %dma_wait3A_407 = tpu.memref_slice %arg7[%add3A_324, %dma_wait3A_406] : memref<128x104xi32, #tpu.memory_space<hbm>> -> memref<1x104xi32, #tpu.memory_space<hbm>>
      %dma_wait3A_408 = tpu.memref_squeeze %dma_wait3A_407 : memref<1x104xi32, #tpu.memory_space<hbm>> -> memref<104xi32, #tpu.memory_space<hbm>>
      %dma_wait3A_409 = arith.constant 0 : i32
      %dma_wait3A_410 = tpu.memref_slice %arg11[%run_scoped3A_325, %dma_wait3A_409] : memref<4x104xi32, #tpu.memory_space<vmem>> -> memref<1x104xi32, #tpu.memory_space<vmem>>
      %dma_wait3A_411 = tpu.memref_squeeze %dma_wait3A_410 : memref<1x104xi32, #tpu.memory_space<vmem>> -> memref<104xi32, #tpu.memory_space<vmem>>
      %dma_wait3A_412 = arith.constant 0 : i32
      %dma_wait3A_413 = tpu.memref_slice %arg7[%add3A_324, %dma_wait3A_412] : memref<128x104xi32, #tpu.memory_space<hbm>> -> memref<1x104xi32, #tpu.memory_space<hbm>>
      %dma_wait3A_414 = tpu.memref_squeeze %dma_wait3A_413 : memref<1x104xi32, #tpu.memory_space<hbm>> -> memref<104xi32, #tpu.memory_space<hbm>>
      tpu.wait_dma2 semaphore(%run_scoped3A_390 : memref<!tpu.dma_semaphore, #tpu.memory_space<semaphore_mem>>) src(%dma_wait3A_414 : memref<104xi32, #tpu.memory_space<hbm>>) dst(%dma_wait3A_411 : memref<104xi32, #tpu.memory_space<vmem>>)
      tpu.yield
    }) : () -> ()
    %dma_start3A_326 = arith.constant 3 : i32
    %dma_start3A_327 = arith.constant 3 : i32
    %dma_start3A_328 = arith.constant 0 : i32
    %dma_start3A_329 = arith.constant 0 : i32
    %dma_start3A_330 = tpu.memref_slice %arg12[%dma_start3A_326, %dma_start3A_328, %dma_start3A_329] : memref<4x104x128xf32, #tpu.memory_space<vmem>> -> memref<1x104x128xf32, #tpu.memory_space<vmem>>
    %dma_start3A_331 = tpu.memref_squeeze %dma_start3A_330 : memref<1x104x128xf32, #tpu.memory_space<vmem>> -> memref<104x128xf32, #tpu.memory_space<vmem>>
    %dma_start3A_332 = arith.constant 0 : i32
    %dma_start3A_333 = tpu.memref_slice %arg11[%dma_start3A_327, %dma_start3A_332] : memref<4x104xi32, #tpu.memory_space<vmem>> -> memref<1x104xi32, #tpu.memory_space<vmem>>
    %dma_start3A_334 = tpu.memref_squeeze %dma_start3A_333 : memref<1x104xi32, #tpu.memory_space<vmem>> -> memref<104xi32, #tpu.memory_space<vmem>>
    %dma_start3A_335 = arith.constant 0 : i32
    %dma_start3A_336 = arith.constant 0 : i32
    %dma_start3A_337 = tpu.memref_slice %arg8[%dma_start3A_335, %dma_start3A_336] : memref<14336x128xf32, #tpu.memory_space<hbm>> -> memref<14336x128xf32, #tpu.memory_space<hbm>>
    tpu.enqueue_indirect_dma source(%dma_start3A_331 : memref<104x128xf32, #tpu.memory_space<vmem>>) target(%dma_start3A_337 : memref<14336x128xf32, #tpu.memory_space<hbm>>) offsets(%dma_start3A_334 : memref<104xi32, #tpu.memory_space<vmem>>) semaphore(%arg18 : memref<!tpu.dma_semaphore, #tpu.memory_space<semaphore_mem>>)
    %dma_wait3A_338 = arith.constant 0 : i32
    %dma_wait3A_339 = tpu.memref_slice %arg8[%mul3A_142, %dma_wait3A_338] : memref<14336x128xf32, #tpu.memory_space<hbm>> -> memref<32x128xf32, #tpu.memory_space<hbm>>
    %dma_wait3A_340 = arith.constant 0 : i32
    %dma_wait3A_341 = tpu.memref_slice %arg8[%mul3A_142, %dma_wait3A_340] : memref<14336x128xf32, #tpu.memory_space<hbm>> -> memref<32x128xf32, #tpu.memory_space<hbm>>
    tpu.wait_dma2 semaphore(%arg18 : memref<!tpu.dma_semaphore, #tpu.memory_space<semaphore_mem>>) src(%arg14 : memref<32x128xf32, #tpu.memory_space<vmem>>) dst(%dma_wait3A_341 : memref<32x128xf32, #tpu.memory_space<hbm>>)
    %dma_wait3A_342 = arith.constant 0 : i32
    %dma_wait3A_343 = arith.constant 0 : i32
    %dma_wait3A_344 = arith.constant 0 : i32
    %dma_wait3A_345 = arith.constant 0 : i32
    %dma_wait3A_346 = tpu.memref_slice %arg12[%dma_wait3A_342, %dma_wait3A_344, %dma_wait3A_345] : memref<4x104x128xf32, #tpu.memory_space<vmem>> -> memref<1x104x128xf32, #tpu.memory_space<vmem>>
    %dma_wait3A_347 = tpu.memref_squeeze %dma_wait3A_346 : memref<1x104x128xf32, #tpu.memory_space<vmem>> -> memref<104x128xf32, #tpu.memory_space<vmem>>
    %dma_wait3A_348 = arith.constant 0 : i32
    %dma_wait3A_349 = tpu.memref_slice %arg11[%dma_wait3A_343, %dma_wait3A_348] : memref<4x104xi32, #tpu.memory_space<vmem>> -> memref<1x104xi32, #tpu.memory_space<vmem>>
    %dma_wait3A_350 = tpu.memref_squeeze %dma_wait3A_349 : memref<1x104xi32, #tpu.memory_space<vmem>> -> memref<104xi32, #tpu.memory_space<vmem>>
    %dma_wait3A_351 = arith.constant 0 : i32
    %dma_wait3A_352 = arith.constant 0 : i32
    %dma_wait3A_353 = tpu.memref_slice %arg8[%dma_wait3A_351, %dma_wait3A_352] : memref<14336x128xf32, #tpu.memory_space<hbm>> -> memref<14336x128xf32, #tpu.memory_space<hbm>>
    tpu.wait_indirect_dma semaphore(%arg18 : memref<!tpu.dma_semaphore, #tpu.memory_space<semaphore_mem>>) src(%dma_wait3A_347 : memref<104x128xf32, #tpu.memory_space<vmem>>) dst(%dma_wait3A_353 : memref<14336x128xf32, #tpu.memory_space<hbm>>)
    %dma_wait3A_354 = arith.constant 1 : i32
    %dma_wait3A_355 = arith.constant 1 : i32
    %dma_wait3A_356 = arith.constant 0 : i32
    %dma_wait3A_357 = arith.constant 0 : i32
    %dma_wait3A_358 = tpu.memref_slice %arg12[%dma_wait3A_354, %dma_wait3A_356, %dma_wait3A_357] : memref<4x104x128xf32, #tpu.memory_space<vmem>> -> memref<1x104x128xf32, #tpu.memory_space<vmem>>
    %dma_wait3A_359 = tpu.memref_squeeze %dma_wait3A_358 : memref<1x104x128xf32, #tpu.memory_space<vmem>> -> memref<104x128xf32, #tpu.memory_space<vmem>>
    %dma_wait3A_360 = arith.constant 0 : i32
    %dma_wait3A_361 = tpu.memref_slice %arg11[%dma_wait3A_355, %dma_wait3A_360] : memref<4x104xi32, #tpu.memory_space<vmem>> -> memref<1x104xi32, #tpu.memory_space<vmem>>
    %dma_wait3A_362 = tpu.memref_squeeze %dma_wait3A_361 : memref<1x104xi32, #tpu.memory_space<vmem>> -> memref<104xi32, #tpu.memory_space<vmem>>
    %dma_wait3A_363 = arith.constant 0 : i32
    %dma_wait3A_364 = arith.constant 0 : i32
    %dma_wait3A_365 = tpu.memref_slice %arg8[%dma_wait3A_363, %dma_wait3A_364] : memref<14336x128xf32, #tpu.memory_space<hbm>> -> memref<14336x128xf32, #tpu.memory_space<hbm>>
    tpu.wait_indirect_dma semaphore(%arg18 : memref<!tpu.dma_semaphore, #tpu.memory_space<semaphore_mem>>) src(%dma_wait3A_359 : memref<104x128xf32, #tpu.memory_space<vmem>>) dst(%dma_wait3A_365 : memref<14336x128xf32, #tpu.memory_space<hbm>>)
    %dma_wait3A_366 = arith.constant 2 : i32
    %dma_wait3A_367 = arith.constant 2 : i32
    %dma_wait3A_368 = arith.constant 0 : i32
    %dma_wait3A_369 = arith.constant 0 : i32
    %dma_wait3A_370 = tpu.memref_slice %arg12[%dma_wait3A_366, %dma_wait3A_368, %dma_wait3A_369] : memref<4x104x128xf32, #tpu.memory_space<vmem>> -> memref<1x104x128xf32, #tpu.memory_space<vmem>>
    %dma_wait3A_371 = tpu.memref_squeeze %dma_wait3A_370 : memref<1x104x128xf32, #tpu.memory_space<vmem>> -> memref<104x128xf32, #tpu.memory_space<vmem>>
    %dma_wait3A_372 = arith.constant 0 : i32
    %dma_wait3A_373 = tpu.memref_slice %arg11[%dma_wait3A_367, %dma_wait3A_372] : memref<4x104xi32, #tpu.memory_space<vmem>> -> memref<1x104xi32, #tpu.memory_space<vmem>>
    %dma_wait3A_374 = tpu.memref_squeeze %dma_wait3A_373 : memref<1x104xi32, #tpu.memory_space<vmem>> -> memref<104xi32, #tpu.memory_space<vmem>>
    %dma_wait3A_375 = arith.constant 0 : i32
    %dma_wait3A_376 = arith.constant 0 : i32
    %dma_wait3A_377 = tpu.memref_slice %arg8[%dma_wait3A_375, %dma_wait3A_376] : memref<14336x128xf32, #tpu.memory_space<hbm>> -> memref<14336x128xf32, #tpu.memory_space<hbm>>
    tpu.wait_indirect_dma semaphore(%arg18 : memref<!tpu.dma_semaphore, #tpu.memory_space<semaphore_mem>>) src(%dma_wait3A_371 : memref<104x128xf32, #tpu.memory_space<vmem>>) dst(%dma_wait3A_377 : memref<14336x128xf32, #tpu.memory_space<hbm>>)
    %dma_wait3A_378 = arith.constant 3 : i32
    %dma_wait3A_379 = arith.constant 3 : i32
    %dma_wait3A_380 = arith.constant 0 : i32
    %dma_wait3A_381 = arith.constant 0 : i32
    %dma_wait3A_382 = tpu.memref_slice %arg12[%dma_wait3A_378, %dma_wait3A_380, %dma_wait3A_381] : memref<4x104x128xf32, #tpu.memory_space<vmem>> -> memref<1x104x128xf32, #tpu.memory_space<vmem>>
    %dma_wait3A_383 = tpu.memref_squeeze %dma_wait3A_382 : memref<1x104x128xf32, #tpu.memory_space<vmem>> -> memref<104x128xf32, #tpu.memory_space<vmem>>
    %dma_wait3A_384 = arith.constant 0 : i32
    %dma_wait3A_385 = tpu.memref_slice %arg11[%dma_wait3A_379, %dma_wait3A_384] : memref<4x104xi32, #tpu.memory_space<vmem>> -> memref<1x104xi32, #tpu.memory_space<vmem>>
    %dma_wait3A_386 = tpu.memref_squeeze %dma_wait3A_385 : memref<1x104xi32, #tpu.memory_space<vmem>> -> memref<104xi32, #tpu.memory_space<vmem>>
    %dma_wait3A_387 = arith.constant 0 : i32
    %dma_wait3A_388 = arith.constant 0 : i32
    %dma_wait3A_389 = tpu.memref_slice %arg8[%dma_wait3A_387, %dma_wait3A_388] : memref<14336x128xf32, #tpu.memory_space<hbm>> -> memref<14336x128xf32, #tpu.memory_space<hbm>>
    tpu.wait_indirect_dma semaphore(%arg18 : memref<!tpu.dma_semaphore, #tpu.memory_space<semaphore_mem>>) src(%dma_wait3A_383 : memref<104x128xf32, #tpu.memory_space<vmem>>) dst(%dma_wait3A_389 : memref<14336x128xf32, #tpu.memory_space<hbm>>)
    return
  }
}

module attributes {stable_mosaic.version = 14 : i64} {
  func.func @_tc_b_body(%arg0: i32, %arg1: memref<6400x128xf32, #tpu.memory_space<vmem>>, %arg2: memref<6272x128xf32, #tpu.memory_space<vmem>>, %arg3: memref<29x128xf32, #tpu.memory_space<vmem>>, %arg4: memref<6400x128xf32, #tpu.memory_space<vmem>>, %arg5: memref<6272x128xf32, #tpu.memory_space<vmem>>) attributes {dimension_semantics = [#tpu.dimension_semantics<arbitrary>], iteration_bounds = array<i64: 32>, scalar_prefetch = 0 : i64, scratch_operands = 0 : i64, tpu.core_type = #tpu.core_type<tc>, window_params = [{transform_indices = @transform_0, window_bounds = array<i64: 6400, 128>}, {transform_indices = @transform_1, window_bounds = array<i64: 6272, 128>}, {pipeline_mode = #tpu.pipeline_mode<synchronous>, transform_indices = @transform_2, window_bounds = array<i64: 29, 128>}, {transform_indices = @transform_3, window_bounds = array<i64: 6400, 128>}, {transform_indices = @transform_4, window_bounds = array<i64: 6272, 128>}]} {
    %get3A = arith.constant 0 : index
    %get3A_0 = arith.constant 0 : index
    %get3A_1 = vector.load %arg1[%get3A, %get3A_0] : memref<6400x128xf32, #tpu.memory_space<vmem>>, vector<6400x128xf32>
    %get3A_2 = arith.constant 1 : index
    %get3A_3 = arith.constant 0 : index
    %get3A_4 = vector.load %arg3[%get3A_2, %get3A_3] : memref<29x128xf32, #tpu.memory_space<vmem>>, vector<1x128xf32>
    %add3A = vector.broadcast %get3A_4 : vector<1x128xf32> to vector<6400x128xf32>
    %add3A_5 = arith.addf %get3A_1, %add3A : vector<6400x128xf32>
    %swap3A = arith.constant 0 : index
    %swap3A_6 = arith.constant 0 : index
    %swap3A_7 = vector.load %arg4[%swap3A, %swap3A_6] : memref<6400x128xf32, #tpu.memory_space<vmem>>, vector<6400x128xf32>
    tpu.vector_store %arg4[%swap3A, %swap3A_6], %add3A_5 {strides = array<i32>} : memref<6400x128xf32, #tpu.memory_space<vmem>>, vector<6400x128xf32>,
    %get3A_8 = arith.constant 0 : index
    %get3A_9 = arith.constant 0 : index
    %get3A_10 = vector.load %arg2[%get3A_8, %get3A_9] : memref<6272x128xf32, #tpu.memory_space<vmem>>, vector<6272x128xf32>
    %get3A_11 = arith.constant 2 : index
    %get3A_12 = arith.constant 0 : index
    %get3A_13 = vector.load %arg3[%get3A_11, %get3A_12] : memref<29x128xf32, #tpu.memory_space<vmem>>, vector<1x128xf32>
    %add3A_14 = vector.broadcast %get3A_13 : vector<1x128xf32> to vector<6272x128xf32>
    %add3A_15 = arith.addf %get3A_10, %add3A_14 : vector<6272x128xf32>
    %swap3A_16 = arith.constant 0 : index
    %swap3A_17 = arith.constant 0 : index
    %swap3A_18 = vector.load %arg5[%swap3A_16, %swap3A_17] : memref<6272x128xf32, #tpu.memory_space<vmem>>, vector<6272x128xf32>
    tpu.vector_store %arg5[%swap3A_16, %swap3A_17], %add3A_15 {strides = array<i32>} : memref<6272x128xf32, #tpu.memory_space<vmem>>, vector<6272x128xf32>,
    return
  }
  func.func @transform_0(%arg0: i32) -> (i32, i32) {
    %c0_i32 = arith.constant 0 : i32
    %c0_i32_0 = arith.constant 0 : i32
    return %arg0, %c0_i32 : i32, i32
  }
  func.func @transform_1(%arg0: i32) -> (i32, i32) {
    %c0_i32 = arith.constant 0 : i32
    %c0_i32_0 = arith.constant 0 : i32
    return %arg0, %c0_i32 : i32, i32
  }
  func.func @transform_2(%arg0: i32) -> (i32, i32) {
    %c0_i32 = arith.constant 0 : i32
    %c0_i32_0 = arith.constant 0 : i32
    %c0_i32_1 = arith.constant 0 : i32
    return %c0_i32, %c0_i32_0 : i32, i32
  }
  func.func @transform_3(%arg0: i32) -> (i32, i32) {
    %c0_i32 = arith.constant 0 : i32
    %c0_i32_0 = arith.constant 0 : i32
    return %arg0, %c0_i32 : i32, i32
  }
  func.func @transform_4(%arg0: i32) -> (i32, i32) {
    %c0_i32 = arith.constant 0 : i32
    %c0_i32_0 = arith.constant 0 : i32
    return %arg0, %c0_i32 : i32, i32
  }
}

</mosaic_0001>

<sc_bundles>
// kernel: kernel.4.cloned.1.call-start
scs
__scs_entry_jumppad:
0x0: {  	(pc) =	sbr.rel $0x88, $3  }
0x1: {  	(tag) =	ssettag $0x0;
	lr =	simm.s32 $0x1  }
0x2: {  	[smem:$0x3F9C] =	sst lr;
	_ =	strace $0xD0000000  }
0x3: {  	_ = 	snop  }
0x4: {  	_ = 	snop  }
0x5: {  	_ = 	snop  }
0x6: {  	_ = 	snop  }
0x7: {  	_ = 	snop  }
__scs_overlays_trampoline_lowered:
0x8: {  	[smem:$0x3FAB] =	sst s0  }
0x9: {  	[smem:$0x3FAC] =	sst s1  }
0xa: {  	[smem:$0x3FAD] =	sst s2  }
0xb: {  	[smem:$0x3FAE] =	sst s3  }
0xc: {  	[smem:$0x3FAF] =	sst s4  }
0xd: {  	[smem:$0x3FB0] =	sst s5  }
0xe: {  	[smem:$0x3FB1] =	sst s6  }
0xf: {  	[smem:$0x3FB2] =	sst s7  }
0x10: {  	[smem:$0x3FB3] =	sst s8  }
0x11: {  	[smem:$0x3FB4] =	sst s9;
	s0 =	simm.s32 @!p0 $0x0  }
0x12: {  	s1 =	sld [smem:$0x3F9A];
	s0 =	simm.s32 @p0 $0x1  }
0x13: {  	[smem:$0x3FB5] =	sst s0;
	s0 =	simm.s32 @!p1 $0x0  }
0x14: {  	s2 =	sld [smem:$0x3F99];
	s0 =	simm.s32 @p1 $0x1  }
0x15: {  	[smem:$0x3FB6] =	sst s0;
	s0 =	simm.s32 @!p2 $0x0  }
0x16: {  	s3 =	sld [smem:$0x3FDB];
	s0 =	simm.s32 @p2 $0x1  }
0x17: {  	s4 =	simm.s32 $0x1BF5;
	[smem:$0x3FB8] =	sst s0  }
0x18: {  	s0 =	sld [smem:$0x3F9B];
	_ =	swait.ge [sflag:s4], $0x0  }
0x19: {  	s7 =	sld [smem:$0x3F9C]  }
0x1a: {  	s8 =	sadd.s32 $0xFFFFE003, lr  }
0x1b: {  	s9 =	sadd.s32 $0xFFFFFEF7, lr;
	s5 =	simm.s32 $0xFFFFFFFF;
	p2 =	slt.u32 s8, $0xFFFFF086  }
0x1c: {  	p1 =	slt.u32 s9, $0xF7A;
	s5 =	simm.s32 @!p2 $0x0  }
0x1d: {  	s5 =	simm.s32 @p1 $0x1;
	p0 =	seq.s32 s7, s2  }
0x1e: {  	s7 =	smul.u32 @!p0 $0xF7A, s2;
	p2 =	seq.s32 @!p0 s5, $0x0  }
0x1f: {  	s9 =	smul.u32 $0xF7A, s1;
	s8 =	simm.s32 @!p0 $0x1BF5;
	p2 =	por !p2, p0  }
0x20: {  	[sflag:s8] =	ssyncset.s32 @!p0 $0xFFFFF086;
	s6 =	sadd.s32 @!p0 s3, s7;
	s7 =	simm.s32 @!p0 $0x108  }
0x21: {  	s3 =	sadd.s32 s3, s9;
	s6 =	sadd.s32 @!p0 $0x88, s6;
	s7 =	simm.s32 @p2 $0x1082  }
0x22: {  	[simem:s7], [sflag:s8] =	dma.local @!p0 [hbm:s6], $0xF7A  }
0x23: {  	s9 =	sor.u32 $0xD0000000, s2;
	s6 =	simm.s32 $0x108;
	_ =	swait.ge @!p0 [sflag:s8], $0x0  }
0x24: {  	s3 =	sadd.s32 $0x88, s3;
	s6 =	simm.s32 @!p1 $0x1082;
	[sflag:s4] =	ssyncset.s32 $0xFFFFF086  }
0x25: {  	[simem:s6], [sflag:s4] =	dma.local [hbm:s3], $0xF7A  }
0x26: {  	[smem:$0x3F9C] =	sst s1;
	(tag) =	ssettag s2;
	_ =	strace s9  }
0x27: {  	s1 =	sld [smem:$0x3FAC]  }
0x28: {  	s2 =	sld [smem:$0x3FAD]  }
0x29: {  	s4 =	sld [smem:$0x3FAF]  }
0x2a: {  	p0 =	seq.s32 s5, $0x0;
	s5 =	sld [smem:$0x3FB0]  }
0x2b: {  	s6 =	sld [smem:$0x3FB1]  }
0x2c: {  	s7 =	sld [smem:$0x3FB2]  }
0x2d: {  	s3 =	simm.s32 $0x108;
	s8 =	sld [smem:$0x3FB3]  }
0x2e: {  	s3 =	simm.s32 @!p0 $0x1082;
	s9 =	sld [smem:$0x3FB4]  }
0x2f: {  	lr =	sadd.s32 s0, s3;
	s0 =	sld [smem:$0x3FAB]  }
0x30: {  	s3 =	sld [smem:$0x3FAE]  }
0x31: {  	[smem:$0x3FB7] =	sst s10  }
0x32: {  	s10 =	sld [smem:$0x3FB5];
	_ =	sdelay $0x3  }
0x33: {  	p0 =	seq.s32 s10, $0x1;
	s10 =	sld [smem:$0x3FB7];
	_ =	sdelay $0x3  }
0x34: {  	[smem:$0x3FB7] =	sst s10  }
0x35: {  	s10 =	sld [smem:$0x3FB6];
	_ =	sdelay $0x3  }
0x36: {  	p1 =	seq.s32 s10, $0x1;
	s10 =	sld [smem:$0x3FB7];
	_ =	sdelay $0x3  }
0x37: {  	[smem:$0x3FB7] =	sst s10  }
0x38: {  	s10 =	sld [smem:$0x3FB8]  }
0x39: {  	_ = 	snop;
	(pc) =	sbr.ind lr, $3  }
0x3a: {  	_ = 	snop  }
0x3b: {  	_ = 	snop  }
0x3c: {  	p2 =	seq.s32 s10, $0x1;
	s10 =	sld [smem:$0x3FB7]  }
0x3d: {  	_ =	shalt  }
0x3e: {  	_ =	shalt  }
0x3f: {  	_ =	shalt  }
0x40: {  	_ =	shalt  }
0x41: {  	_ =	shalt  }
0x42: {  	_ =	shalt  }
0x43: {  	_ =	shalt  }
0x44: {  	_ =	shalt  }
0x45: {  	_ =	shalt  }
0x46: {  	_ =	shalt  }
0x47: {  	_ =	shalt  }
0x48: {  	_ =	shalt  }
0x49: {  	_ =	shalt  }
0x4a: {  	_ =	shalt  }
0x4b: {  	_ =	shalt  }
0x4c: {  	_ =	shalt  }
0x4d: {  	_ =	shalt  }
0x4e: {  	_ =	shalt  }
0x4f: {  	_ =	shalt  }
0x50: {  	_ =	shalt  }
0x51: {  	_ =	shalt  }
0x52: {  	_ =	shalt  }
0x53: {  	_ =	shalt  }
0x54: {  	_ =	shalt  }
0x55: {  	_ =	shalt  }
0x56: {  	_ =	shalt  }
0x57: {  	_ =	shalt  }
0x58: {  	_ =	shalt  }
0x59: {  	_ =	shalt  }
0x5a: {  	_ =	shalt  }
0x5b: {  	_ =	shalt  }
0x5c: {  	_ =	shalt  }
0x5d: {  	_ =	shalt  }
0x5e: {  	_ =	shalt  }
0x5f: {  	_ =	shalt  }
0x60: {  	_ =	shalt  }
0x61: {  	_ =	shalt  }
0x62: {  	_ =	shalt  }
0x63: {  	_ =	shalt  }
0x64: {  	_ =	shalt  }
0x65: {  	_ =	shalt  }
0x66: {  	_ =	shalt  }
0x67: {  	_ =	shalt  }
0x68: {  	_ =	shalt  }
0x69: {  	_ =	shalt  }
0x6a: {  	_ =	shalt  }
0x6b: {  	_ =	shalt  }
0x6c: {  	_ =	shalt  }
0x6d: {  	_ =	shalt  }
0x6e: {  	_ =	shalt  }
0x6f: {  	_ =	shalt  }
0x70: {  	_ =	shalt  }
0x71: {  	_ =	shalt  }
0x72: {  	_ =	shalt  }
0x73: {  	_ =	shalt  }
0x74: {  	_ =	shalt  }
0x75: {  	_ =	shalt  }
0x76: {  	_ =	shalt  }
0x77: {  	_ =	shalt  }
0x78: {  	_ =	shalt  }
0x79: {  	_ =	shalt  }
0x7a: {  	_ =	shalt  }
0x7b: {  	_ =	shalt  }
0x7c: {  	_ =	shalt  }
0x7d: {  	_ =	shalt  }
0x7e: {  	_ =	shalt  }
0x7f: {  	_ =	shalt  }
0x80: {  	_ =	shalt  }
0x81: {  	_ =	shalt  }
0x82: {  	_ =	shalt  }
0x83: {  	_ =	shalt  }
0x84: {  	_ =	shalt  }
0x85: {  	_ =	shalt  }
0x86: {  	_ =	shalt  }
0x87: {  	_ =	shalt  }
.Lfunc_end0:
.L_simem_size_0:
called_computation_lowered:
.L_overlay_start_0:
0x88: {  	s2 =	sld [smem:$0x3FD9]  }
0x89: {  	s3 =	sld [smem:$0x3FFE];
	_ =	sdelay $0x1  }
0x8a: {  	s1 =	srdreg.scid  }
0x8b: {  	s0 =	sand.u32 $0x1, s1  }
0x8c: {  	s15 =	sshll.u32 s0, $0xA;
	s2 =	sadd.s32 s3, s2  }
0x8d: {  	s2 =	sadd.s32 s2, s15  }
0x8e: {  	[smem:$0x3FC3] =	sst s2  }
0x8f: {  	_ = 	snop  }
0x90: {  	s2 =	sld [smem:$0x3FD0]  }
0x91: {  	s16 =	sld [smem:$0x3FC7]  }
0x92: {  	s4 =	sld [smem:$0x3FC6]  }
0x93: {  	s6 =	simm.s32 $0xA;
	s7 =	simm.s32 $0x10;
	s5 =	sld [smem:$0x3FC5]  }
0x94: {  	[smem:s7], [sflag:s6] =	dma.local [hbm:s2], $0x1  }
0x95: {  	_ =	swait.eq [sflag:s6], $0x1  }
0x96: {  	s17 =	sld [smem:$0x12]  }
0x97: {  	s18 =	sld [smem:$0x13];
	[sflag:s6] =	ssyncset.done $0x0  }
0x98: {  	s8 =	sld [smem:$0x14];
	[sflag:s6] =	ssyncadd.s32 $0xFFFFFFFF  }
0x99: {  	s19 =	sld [smem:$0x15];
	(tm) =	ssettm $0x1  }
0x9a: {  	s9 =	sld [smem:$0x3FFB];
	_ =	sdelay $0x3  }
0x9b: {  	_ =	strace s9  }
0x9c: {  	s9 =	sld [smem:$0x3FFC];
	_ =	sdelay $0x3  }
0x9d: {  	_ =	strace s9  }
0x9e: {  	s9 =	sld [smem:$0x3FFD];
	_ =	sdelay $0x3  }
0x9f: {  	_ =	strace s9  }
0xa0: {  	_ =	strace $0x8FFFFFFF  }
0xa1: {  	s20 =	sld [smem:$0x3FDB];
	_ =	sdelay $0x1  }
0xa2: {  	s10 =	simm.s32 $_scs_section_size  }
0xa3: {  	s11 =	simm.s32 $_size__tile_overlayer_lowered;
	s12 =	simm.s32 $_tile_overlayer_lowered  }
0xa4: {  	s23 =	simm.s32 $0x1BFF;
	s22 =	sshll.u32 s12, $0x1;
	s9 =	sadd.s32 s10, s20  }
0xa5: {  	s13 =	simm.s32 $0x0;
	s21 =	sshll.u32 s11, $0x1;
	s11 =	sadd.s32 s22, s9  }
0xa6: {  	[timem:s13], [sflag:s23] =	dma.local [hbm:s11], s21  }
0xa7: {  	_ =	swait.ge [sflag:s23], s21  }
0xa8: {  	s10 =	ssub.s32 $0x0, s21;
	[sflag:s23] =	ssyncset.done $0x0  }
0xa9: {  	[sflag:s23] =	ssyncadd.s32 s10;
	_ =	sdelay $0x1  }
0xaa: {  	s24 =	simm.s32 $0x1B8B  }
0xab: {  	_ =	swait.ge [sflag:s24], $0x1  }
0xac: {  	[sflag:s24] =	ssyncset.done $0x0  }
0xad: {  	s25 =	simm.s32 $0x1B8E;
	[sflag:s24] =	ssyncadd.s32 $0xFFFFFFFF  }
0xae: {  	s26 =	simm.s32 $execute0_lowered;
	[smem:$0x3FD2] =	sst s25  }
0xaf: {  	s10 =	sshll.u32 s26, $0x1;
	_ =	strace $0x80000046;
	[dreg:$0x1] =	wrdreg $0xFFFFFFFF  }
0xb0: {  	s28 =	simm.s32 $_size_execute0_lowered;
	s9 =	sadd.s32 s9, s10;
	[dreg:$0x0] =	wrdreg $0x0  }
0xb1: {  	s10 =	sshll.u32 s28, $0x1;
	[dreg:$0x2] =	wrdreg s9  }
0xb2: {  	[dreg:$0x3] =	wrdreg s10  }
0xb3: {  	[dreg:$0x4] =	wrdreg $0xC0  }
0xb4: {  	_ =	task [dreg:s13], $0x5FFFF  }
0xb5: {  	[dreg:$0x1] =	wrdreg $0xFFFFFFFF  }
0xb6: {  	[dreg:$0x0] =	wrdreg $0x60  }
0xb7: {  	[dreg:$0x2] =	wrdreg s16  }
0xb8: {  	[dreg:$0x3] =	wrdreg s4  }
0xb9: {  	[dreg:$0x4] =	wrdreg s5  }
0xba: {  	[dreg:$0x5] =	wrdreg s8  }
0xbb: {  	[dreg:$0x6] =	wrdreg s18  }
0xbc: {  	[dreg:$0x7] =	wrdreg s19  }
0xbd: {  	[dreg:$0x8] =	wrdreg s17  }
0xbe: {  	[dreg:$0x9] =	wrdreg $0x9  }
0xbf: {  	_ =	task.clear_ibuf [dreg:s13], $0xAFFFF;
	_ =	strace $0x90000046  }
0xc0: {  	s29 =	simm.s32 $0x9;
	_ =	strace $0x80000048  }
0xc1: {  	_ =	swait.ge [sflag:s29], $0x1  }
0xc2: {  	[sflag:s29] =	ssyncadd.s32 $0xFFFFFFFF  }
0xc3: {  	_ =	strace $0x90000048  }
0xc4: {  	_ =	sfence  }
0xc5: {  	s30 =	sld [smem:$0x0];
	_ =	sdelay $0x2  }
0xc6: {  	s31 =	sshll.u32 s1, $0xD;
	s1 =	sshrl.u32 s1, $0x2  }
0xc7: {  	s3 =	sand.u32 $0x4000, s31;
	s1 =	sadd.s32 s1, s30  }
0xc8: {  	s0 =	sor.u32 s3, s0;
	s1 =	sshll.u32 s1, $0x11  }
0xc9: {  	s0 =	sor.u32 s1, s0  }
0xca: {  	s0 =	sadd.s32 $0x8F2B, s0  }
0xcb: {  	[sflag:s0] =	ssyncadd.remote.s32 $0x1  }
0xcc: {  	_ =	sfence.sel $0xFFFF  }
0xcd: {  	[dreg:$0x0] =	wrdreg $0xFFFFFFFF;
	(pc) =	sbr.abs _section_cstart, $3  }
0xce: {  	[dreg:$0x1] =	wrdreg $0xFFFFFFFF  }
0xcf: {  	_ =	task.clear_ibuf [dreg:s13], $0x2FFFF;
	_ =	strace $0x9FFFFFFF  }
0xd0: {  	(tm) =	ssettm $0x7FFFFFFF  }
0xd1: {  	_ =	shalt  }
tec
execute0_lowered:
.L_overlay_start_1:
0x0: {  	(tag) =	ssettag $0x1  }
0x1: {  	s0 =	rddreg [dreg:$0x0]  }
0x2: {  	s2 =	rddreg [dreg:$0x1]  }
0x3: {  	s1 =	rddreg [dreg:$0x3]  }
0x4: {  	s3 =	rddreg [dreg:$0x4]  }
0x5: {  	s4 =	rddreg [dreg:$0x5]  }
0x6: {  	s5 =	rddreg [dreg:$0x6]  }
0x7: {  	s7 =	srdreg.scid;
	s6 =	simm.s32 $0x0;
	s9 =	stileid.u32  }
0x8: {  	s28 =	simm.s32 $0x280;
	s29 =	simm.s32 $0x3A00;
	s31 =	simm.s32 $0x100  }
0x9: {  	s30 =	simm.s32 $0x380;
	s7 =	sand.u32 $0x1, s7;
	s9 =	sshll.u32 s9, $0xA  }
0xa: {  	[smem:$0x7FF] =	sst s6;
	s8 =	ssub.s32 $0x2, s7;
	s7 =	sshll.u32 s7, $0x9  }
0xb: {  	_ =	strace $0x80000047;
	s10 =	sshrl.u32 s8, $0x1;
	s11 =	sor.u32 s7, s9  }
0xc: {  	s26 =	sadd.s32 s5, s7;
	s7 =	simm.s32 $0x1;
	s8 =	ssub.s32 s8, s10  }
0xd: {  	s18 =	sshrl.u32 s11, $0x3;
	s15 =	sadd.s32 s9, s26;
	s26 =	simm.s32 $0x80  }
0xe: {  	s9 =	simm.s32 $0x480;
	s10 =	simm.s32 $0x500;
	s11 =	sadd.s32 s1, s18  }
0xf: {  	s19 =	sadd.s32 s3, s18;
	s20 =	sor.u32 $0x10, s18;
	s22 =	sor.u32 $0x20, s18  }
0x10: {  	s24 =	sor.u32 $0x30, s18;
	s16 =	sadd.s32 s4, s18;
	[dreg:$0x8] =	wrdreg s11  }
0x11: {  	[dreg:$0x9] =	wrdreg s19;
	s12 =	sadd.s32 s1, s20;
	s21 =	sadd.s32 s3, s20  }
0x12: {  	s13 =	sadd.s32 s1, s22;
	s23 =	sadd.s32 s3, s22;
	s1 =	sadd.s32 s1, s24  }
0x13: {  	s25 =	sadd.s32 s3, s24;
	s17 =	sadd.s32 s4, s20;
	[dreg:$0xa] =	wrdreg s12  }
0x14: {  	s18 =	sadd.s32 s4, s22;
	s19 =	sadd.s32 s4, s24;
	[dreg:$0xb] =	wrdreg s21  }
0x15: {  	s20 =	smax.u32 s8, $0x1;
	s4 =	simm.s32 $0x6E00;
	[dreg:$0xc] =	wrdreg s13  }
0x16: {  	s3 =	simm.s32 $0xA200;
	s8 =	simm.s32 $0x400;
	[dreg:$0xd] =	wrdreg s23  }
0x17: {  	s11 =	simm.s32 $0x580;
	s22 =	simm.s32 $0x0;
	[dreg:$0xe] =	wrdreg s1  }
0x18: {  	[dreg:$0xf] =	wrdreg s25;
	s21 =	simm.s32 $0x3;
	s23 =	simm.s32 $0x68  }
0x19: {  	s1 =	simm.s32 $0x300;
	s25 =	simm.s32 $0x180;
	s12 =	simm.s32 $0x2  }
.LBB2_1:
0x1a: {  	s13 =	rddreg [dreg:$0x8]  }
0x1b: {  	[tilespmem:s6], [sflag:$0x3] =	stream.linear.gather [hbm4b:s13+s6], $0x80, $0x38;
	[tilespmem:$0x1B700] =	vst v63  }
0x1c: {  	_ =	swait.ge [sflag:s21], $0x80  }
0x1d: {  	[sflag:s21] =	ssyncset.done $0x0  }
0x1e: {  	s14 =	simm.s32 $0x200;
	s24 =	rddreg [dreg:$0x9];
	[sflag:s21] =	ssyncadd.s32 $0xFFFFFF80  }
0x1f: {  	[tilespmem:s14], [sflag:$0x3] =	stream.linear.gather [hbm4b:s24+s6], $0x80, $0x38;
	[tilespmem:$0x1B700] =	vst v63  }
0x20: {  	_ =	swait.ge [sflag:s21], $0x80  }
0x21: {  	[sflag:s21] =	ssyncset.done $0x0  }
0x22: {  	s24 =	simm.s32 $0x600;
	[sflag:s21] =	ssyncadd.s32 $0xFFFFFF80  }
0x23: {  	[tilespmem:s24], [sflag:$0x1] =	stream.indirect.gather [hbm4b:s0+s23], $0x80, s6, s23, $0xb8;
	[tilespmem:$0x1B700] =	vst v63  }
0x24: {  	s24 =	simm.s32 $0xD600  }
0x25: {  	[tilespmem:s24], [sflag:$0x1] =	stream.indirect.gather [hbm4b:s2+s23], $0x80, s14, s23, $0xb8;
	[tilespmem:$0x1B700] =	vst v63  }
0x26: {  	s24 =	rddreg [dreg:$0xa]  }
0x27: {  	[tilespmem:s26], [sflag:$0x3] =	stream.linear.gather [hbm4b:s24+s6], $0x80, $0x38;
	[tilespmem:$0x1B700] =	vst v63  }
0x28: {  	_ =	swait.ge [sflag:s21], $0x80  }
0x29: {  	[sflag:s21] =	ssyncset.done $0x0  }
0x2a: {  	s14 =	rddreg [dreg:$0xb];
	[sflag:s21] =	ssyncadd.s32 $0xFFFFFF80  }
0x2b: {  	[tilespmem:s28], [sflag:$0x3] =	stream.linear.gather [hbm4b:s14+s6], $0x80, $0x38;
	[tilespmem:$0x1B700] =	vst v63  }
0x2c: {  	_ =	swait.ge [sflag:s21], $0x80  }
0x2d: {  	[sflag:s21] =	ssyncset.done $0x0  }
0x2e: {  	[sflag:s21] =	ssyncadd.s32 $0xFFFFFF80  }
0x2f: {  	[tilespmem:s29], [sflag:$0x1] =	stream.indirect.gather [hbm4b:s0+s23], $0x80, s26, s23, $0xb8;
	[tilespmem:$0x1B700] =	vst v63  }
0x30: {  	s24 =	simm.s32 $0x10A00  }
0x31: {  	[tilespmem:s24], [sflag:$0x1] =	stream.indirect.gather [hbm4b:s2+s23], $0x80, s28, s23, $0xb8;
	[tilespmem:$0x1B700] =	vst v63  }
0x32: {  	s14 =	rddreg [dreg:$0xc]  }
0x33: {  	[tilespmem:s31], [sflag:$0x3] =	stream.linear.gather [hbm4b:s14+s6], $0x80, $0x38;
	[tilespmem:$0x1B700] =	vst v63  }
0x34: {  	_ =	swait.ge [sflag:s21], $0x80  }
0x35: {  	[sflag:s21] =	ssyncset.done $0x0  }
0x36: {  	s24 =	rddreg [dreg:$0xd];
	[sflag:s21] =	ssyncadd.s32 $0xFFFFFF80  }
0x37: {  	[tilespmem:s1], [sflag:$0x3] =	stream.linear.gather [hbm4b:s24+s6], $0x80, $0x38;
	[tilespmem:$0x1B700] =	vst v63  }
0x38: {  	_ =	swait.ge [sflag:s21], $0x80  }
0x39: {  	[sflag:s21] =	ssyncset.done $0x0  }
0x3a: {  	[sflag:s21] =	ssyncadd.s32 $0xFFFFFF80  }
0x3b: {  	[tilespmem:s4], [sflag:$0x1] =	stream.indirect.gather [hbm4b:s0+s23], $0x80, s31, s23, $0xb8;
	[tilespmem:$0x1B700] =	vst v63  }
0x3c: {  	s14 =	simm.s32 $0x13E00  }
0x3d: {  	[tilespmem:s14], [sflag:$0x1] =	stream.indirect.gather [hbm4b:s2+s23], $0x80, s1, s23, $0xb8;
	[tilespmem:$0x1B700] =	vst v63  }
0x3e: {  	s24 =	rddreg [dreg:$0xe]  }
0x3f: {  	[tilespmem:s25], [sflag:$0x3] =	stream.linear.gather [hbm4b:s24+s6], $0x80, $0x38;
	[tilespmem:$0x1B700] =	vst v63  }
0x40: {  	_ =	swait.ge [sflag:s21], $0x80  }
0x41: {  	[sflag:s21] =	ssyncset.done $0x0  }
0x42: {  	s14 =	rddreg [dreg:$0xf];
	[sflag:s21] =	ssyncadd.s32 $0xFFFFFF80  }
0x43: {  	[tilespmem:s30], [sflag:$0x3] =	stream.linear.gather [hbm4b:s14+s6], $0x80, $0x38;
	[tilespmem:$0x1B700] =	vst v63  }
0x44: {  	_ =	swait.ge [sflag:s21], $0x80  }
0x45: {  	[sflag:s21] =	ssyncset.done $0x0  }
0x46: {  	[sflag:s21] =	ssyncadd.s32 $0xFFFFFF80  }
0x47: {  	[tilespmem:s3], [sflag:$0x1] =	stream.indirect.gather [hbm4b:s0+s23], $0x80, s25, s23, $0xb8;
	[tilespmem:$0x1B700] =	vst v63  }
0x48: {  	s24 =	simm.s32 $0x17200  }
0x49: {  	[tilespmem:s24], [sflag:$0x1] =	stream.indirect.gather [hbm4b:s2+s23], $0x80, s30, s23, $0xb8;
	[tilespmem:$0x1B700] =	vst v63  }
0x4a: {  	s14 =	rddreg [dreg:$0x2];
	s24 =	simm.s32 $0x1B600  }
0x4b: {  	[tilespmem:s24], [sflag:$0x3] =	stream.linear.gather [hbm4b:s14+s6], $0x80, $0x38;
	[tilespmem:$0x1B700] =	vst v63  }
0x4c: {  	_ =	swait.ge [sflag:s21], $0x80  }
0x4d: {  	[sflag:s21] =	ssyncset.done $0x0  }
0x4e: {  	s24 =	simm.s32 $0x1B680;
	[sflag:s21] =	ssyncadd.s32 $0xFFFFFF80  }
0x4f: {  	[tilespmem:s24], [sflag:$0x3] =	stream.linear.gather [hbm4b:s2+s6], $0x80, $0x38;
	[tilespmem:$0x1B700] =	vst v63  }
0x50: {  	_ =	swait.ge [sflag:s21], $0x80  }
0x51: {  	[sflag:s21] =	ssyncset.done $0x0  }
0x52: {  	[sflag:s21] =	ssyncadd.s32 $0xFFFFFF80  }
0x53: {  	v0 =	vld [tilespmem:$0x1B600]  }
0x54: {  	v1 =	vld [tilespmem:$0x1B680];
	_ =	sdelay $0x4  }
0x55: {  	v0 =	vadd.f32 v1, v0  }
0x56: {  	s13 =	simm.s32 $0x0  }
0x57: {  	[tilespmem:s13+$0x1A600] =	vst v0  }
0x58: {  	v0 =	vld [tilespmem:$0x1B610]  }
0x59: {  	v1 =	vld [tilespmem:$0x1B690];
	_ =	sdelay $0x4  }
0x5a: {  	v0 =	vadd.f32 v1, v0;
	_ =	sdelay $0x1  }
0x5b: {  	[tilespmem:s13+$0x1A610] =	vst v0  }
0x5c: {  	v0 =	vld [tilespmem:$0x1B620]  }
0x5d: {  	v1 =	vld [tilespmem:$0x1B6A0];
	_ =	sdelay $0x4  }
0x5e: {  	v0 =	vadd.f32 v1, v0;
	_ =	sdelay $0x1  }
0x5f: {  	[tilespmem:s13+$0x1A620] =	vst v0  }
0x60: {  	v0 =	vld [tilespmem:$0x1B630]  }
0x61: {  	v1 =	vld [tilespmem:$0x1B6B0];
	_ =	sdelay $0x4  }
0x62: {  	v0 =	vadd.f32 v1, v0;
	_ =	sdelay $0x1  }
0x63: {  	[tilespmem:s13+$0x1A630] =	vst v0  }
0x64: {  	v0 =	vld [tilespmem:$0x1B640]  }
0x65: {  	v1 =	vld [tilespmem:$0x1B6C0];
	_ =	sdelay $0x4  }
0x66: {  	v0 =	vadd.f32 v1, v0;
	_ =	sdelay $0x1  }
0x67: {  	[tilespmem:s13+$0x1A640] =	vst v0  }
0x68: {  	v0 =	vld [tilespmem:$0x1B650]  }
0x69: {  	v1 =	vld [tilespmem:$0x1B6D0];
	_ =	sdelay $0x4  }
0x6a: {  	v0 =	vadd.f32 v1, v0;
	_ =	sdelay $0x1  }
0x6b: {  	[tilespmem:s13+$0x1A650] =	vst v0  }
0x6c: {  	v0 =	vld [tilespmem:$0x1B660]  }
0x6d: {  	v1 =	vld [tilespmem:$0x1B6E0];
	_ =	sdelay $0x4  }
0x6e: {  	v0 =	vadd.f32 v1, v0;
	_ =	sdelay $0x1  }
0x6f: {  	[tilespmem:s13+$0x1A660] =	vst v0  }
0x70: {  	s14 =	simm.s32 $0x200;
	v0 =	vld [tilespmem:$0x1B670]  }
.LBB2_2:
0x71: {  	p0 =	sne.s32 s14, $0x3E00;
	v1 =	vld [tilespmem:$0x1B6F0];
	s24 =	smov.u32 s14;
	s14 =	sadd.s32 $0x200, s14  }
0x72: {  	_ =	sdelay $0x3  }
0x73: {  	v0 =	vadd.f32 v1, v0;
	_ =	sdelay $0x1  }
0x74: {  	[tilespmem:s13+$0x1A670] =	vst v0  }
0x75: {  	v0 =	vld [tilespmem:$0x1B600]  }
0x76: {  	v1 =	vld [tilespmem:$0x1B680];
	_ =	sdelay $0x4  }
0x77: {  	v0 =	vadd.f32 v1, v0  }
0x78: {  	s13 =	sshra.s32 s24, $0x2  }
0x79: {  	[tilespmem:s13+$0x1A600] =	vst v0  }
0x7a: {  	v0 =	vld [tilespmem:$0x1B610]  }
0x7b: {  	v1 =	vld [tilespmem:$0x1B690];
	_ =	sdelay $0x4  }
0x7c: {  	v0 =	vadd.f32 v1, v0;
	_ =	sdelay $0x1  }
0x7d: {  	[tilespmem:s13+$0x1A610] =	vst v0  }
0x7e: {  	v0 =	vld [tilespmem:$0x1B620]  }
0x7f: {  	v1 =	vld [tilespmem:$0x1B6A0];
	_ =	sdelay $0x4  }
0x80: {  	v0 =	vadd.f32 v1, v0;
	_ =	sdelay $0x1  }
0x81: {  	[tilespmem:s13+$0x1A620] =	vst v0  }
0x82: {  	v0 =	vld [tilespmem:$0x1B630]  }
0x83: {  	v1 =	vld [tilespmem:$0x1B6B0];
	_ =	sdelay $0x4  }
0x84: {  	v0 =	vadd.f32 v1, v0;
	_ =	sdelay $0x1  }
0x85: {  	[tilespmem:s13+$0x1A630] =	vst v0  }
0x86: {  	v0 =	vld [tilespmem:$0x1B640]  }
0x87: {  	v1 =	vld [tilespmem:$0x1B6C0];
	_ =	sdelay $0x4  }
0x88: {  	v0 =	vadd.f32 v1, v0;
	_ =	sdelay $0x1  }
0x89: {  	[tilespmem:s13+$0x1A640] =	vst v0  }
0x8a: {  	v0 =	vld [tilespmem:$0x1B650]  }
0x8b: {  	v1 =	vld [tilespmem:$0x1B6D0];
	_ =	sdelay $0x4  }
0x8c: {  	v0 =	vadd.f32 v1, v0;
	_ =	sdelay $0x1  }
0x8d: {  	[tilespmem:s13+$0x1A650] =	vst v0  }
0x8e: {  	v0 =	vld [tilespmem:$0x1B660]  }
0x8f: {  	v1 =	vld [tilespmem:$0x1B6E0];
	_ =	sdelay $0x3  }
.Ltmp0:
0x90: {  	(pc) =	sbr.rel @p0 .LBB2_2-.Ltmp0, $3  }
0x91: {  	v0 =	vadd.f32 v1, v0;
	_ =	sdelay $0x1  }
0x92: {  	[tilespmem:s13+$0x1A660] =	vst v0  }
0x93: {  	v0 =	vld [tilespmem:$0x1B670]  }
0x94: {  	v1 =	vld [tilespmem:$0x1B6F0];
	_ =	sdelay $0x4  }
0x95: {  	v0 =	vadd.f32 v1, v0;
	_ =	sdelay $0x1  }
0x96: {  	s24 =	simm.s32 $0x0;
	s14 =	simm.s32 $0x1A600;
	[tilespmem:s13+$0x1A670] =	vst v0  }
0x97: {  	[hbm4b:s15+s24] =	stream.linear.scatter [tilespmem:s14], [sflag:$0x2], $0x1000, $0x38;
	[tilespmem:$0x1B700] =	vst v63  }
0x98: {  	_ =	swait.ge [sflag:s7], $0x3400  }
0x99: {  	[sflag:s7] =	ssyncset.done $0x0  }
0x9a: {  	[sflag:s7] =	ssyncadd.s32 $0xFFFFCC00  }
0x9b: {  	_ =	swait.ge [sflag:s7], $0x3400  }
0x9c: {  	[sflag:s7] =	ssyncset.done $0x0  }
0x9d: {  	[sflag:s7] =	ssyncadd.s32 $0xFFFFCC00  }
0x9e: {  	_ =	swait.ge [sflag:s7], $0x3400  }
0x9f: {  	[sflag:s7] =	ssyncset.done $0x0  }
0xa0: {  	[sflag:s7] =	ssyncadd.s32 $0xFFFFCC00  }
0xa1: {  	_ =	swait.ge [sflag:s7], $0x3400  }
0xa2: {  	[sflag:s7] =	ssyncset.done $0x0  }
0xa3: {  	[sflag:s7] =	ssyncadd.s32 $0xFFFFCC00  }
0xa4: {  	_ =	swait.ge [sflag:s7], $0x3400  }
0xa5: {  	[sflag:s7] =	ssyncset.done $0x0  }
0xa6: {  	[sflag:s7] =	ssyncadd.s32 $0xFFFFCC00  }
0xa7: {  	_ =	swait.ge [sflag:s7], $0x3400  }
0xa8: {  	[sflag:s7] =	ssyncset.done $0x0  }
0xa9: {  	[sflag:s7] =	ssyncadd.s32 $0xFFFFCC00  }
0xaa: {  	_ =	swait.ge [sflag:s7], $0x3400  }
0xab: {  	[sflag:s7] =	ssyncset.done $0x0  }
0xac: {  	[sflag:s7] =	ssyncadd.s32 $0xFFFFCC00  }
0xad: {  	_ =	swait.ge [sflag:s7], $0x3400  }
0xae: {  	[sflag:s7] =	ssyncset.done $0x0  }
0xaf: {  	s13 =	simm.s32 $0x0;
	[sflag:s7] =	ssyncadd.s32 $0xFFFFCC00  }
0xb0: {  	v7 =	vld [tilespmem:s13+$0xD600]  }
0xb1: {  	v11 =	vld [tilespmem:s13+$0xD610]  }
0xb2: {  	v5 =	vld [tilespmem:s13+$0xD620]  }
0xb3: {  	v4 =	vld [tilespmem:s13+$0xD630]  }
0xb4: {  	v3 =	vld [tilespmem:s13+$0xD640]  }
0xb5: {  	v2 =	vld [tilespmem:s13+$0xD650]  }
0xb6: {  	v1 =	vld [tilespmem:s13+$0xD660]  }
0xb7: {  	v0 =	vld [tilespmem:s13+$0xD670]  }
0xb8: {  	v12 =	vld [tilespmem:s13+$0x600]  }
0xb9: {  	v13 =	vld [tilespmem:s13+$0x610]  }
0xba: {  	v10 =	vld [tilespmem:s13+$0x620]  }
0xbb: {  	v9 =	vld [tilespmem:s13+$0x630]  }
0xbc: {  	v8 =	vld [tilespmem:s13+$0x640]  }
0xbd: {  	v6 =	vld [tilespmem:s13+$0x650];
	v12 =	vadd.f32 v7, v12  }
0xbe: {  	s14 =	simm.s32 $0x200;
	v11 =	vadd.f32 v11, v13;
	v7 =	vld [tilespmem:s13+$0x660]  }
.LBB2_4:
0xbf: {  	s24 =	sshra.s32 s14, $0x2;
	p0 =	sne.s32 s14, $0xCE00;
	[tilespmem:s13+$0x600] =	vst v12;
	v5 =	vadd.f32 v5, v10;
	v10 =	vld [tilespmem:s13+$0x670]  }
0xc0: {  	v12 =	vld [tilespmem:s24+$0xD600];
	[tilespmem:s13+$0x610] =	vst v11;
	v4 =	vadd.f32 v4, v9  }
0xc1: {  	v11 =	vld [tilespmem:s24+$0xD610];
	[tilespmem:s13+$0x620] =	vst v5;
	v3 =	vadd.f32 v3, v8  }
0xc2: {  	v5 =	vld [tilespmem:s24+$0xD620];
	[tilespmem:s13+$0x630] =	vst v4;
	v2 =	vadd.f32 v2, v6  }
0xc3: {  	v4 =	vld [tilespmem:s24+$0xD630];
	[tilespmem:s13+$0x640] =	vst v3;
	v1 =	vadd.f32 v1, v7  }
0xc4: {  	v3 =	vld [tilespmem:s24+$0xD640];
	[tilespmem:s13+$0x650] =	vst v2;
	v0 =	vadd.f32 v0, v10  }
0xc5: {  	v2 =	vld [tilespmem:s24+$0xD650];
	[tilespmem:s13+$0x660] =	vst v1  }
0xc6: {  	v1 =	vld [tilespmem:s24+$0xD660];
	[tilespmem:s13+$0x670] =	vst v0;
	s13 =	smov.u32 s24  }
0xc7: {  	v0 =	vld [tilespmem:s13+$0xD670]  }
0xc8: {  	v6 =	vld [tilespmem:s13+$0x600]  }
0xc9: {  	v7 =	vld [tilespmem:s13+$0x610]  }
.Ltmp1:
0xca: {  	v10 =	vld [tilespmem:s13+$0x620];
	(pc) =	sbr.rel @p0 .LBB2_4-.Ltmp1, $4  }
0xcb: {  	v9 =	vld [tilespmem:s13+$0x630]  }
0xcc: {  	v8 =	vld [tilespmem:s13+$0x640]  }
0xcd: {  	v12 =	vadd.f32 v12, v6;
	v6 =	vld [tilespmem:s13+$0x650]  }
0xce: {  	s14 =	sadd.s32 $0x200, s14;
	v11 =	vadd.f32 v11, v7;
	v7 =	vld [tilespmem:s13+$0x660]  }
0xcf: {  	[tilespmem:s13+$0x600] =	vst v12;
	v5 =	vadd.f32 v5, v10;
	v10 =	vld [tilespmem:s13+$0x670]  }
0xd0: {  	[tilespmem:s13+$0x610] =	vst v11;
	v4 =	vadd.f32 v4, v9  }
0xd1: {  	[tilespmem:s13+$0x620] =	vst v5;
	v3 =	vadd.f32 v3, v8  }
0xd2: {  	[tilespmem:s13+$0x630] =	vst v4;
	v2 =	vadd.f32 v2, v6  }
0xd3: {  	[tilespmem:s13+$0x640] =	vst v3;
	v1 =	vadd.f32 v1, v7  }
0xd4: {  	[tilespmem:s13+$0x650] =	vst v2;
	v0 =	vadd.f32 v0, v10  }
0xd5: {  	[tilespmem:s13+$0x660] =	vst v1  }
0xd6: {  	s14 =	simm.s32 $0x0;
	[tilespmem:s13+$0x670] =	vst v0  }
0xd7: {  	[tilespmem:s8], [sflag:$0x3] =	stream.linear.gather [hbm4b:s16+s14], $0x80, $0x38;
	[tilespmem:$0x1B700] =	vst v63  }
0xd8: {  	_ =	swait.ge [sflag:s21], $0x80  }
0xd9: {  	[sflag:s21] =	ssyncset.done $0x0  }
0xda: {  	s24 =	simm.s32 $0x600;
	s13 =	simm.s32 $0x0;
	[sflag:s21] =	ssyncadd.s32 $0xFFFFFF80  }
0xdb: {  	[hbm4b:s5+s23] =	stream.indirect.scatter [tilespmem:s24], [sflag:$0x2], $0x80, s8, s23, $0xb8;
	[tilespmem:$0x1B700] =	vst v63  }
0xdc: {  	v7 =	vld [tilespmem:s13+$0x10A00]  }
0xdd: {  	v11 =	vld [tilespmem:s13+$0x10A10]  }
0xde: {  	v5 =	vld [tilespmem:s13+$0x10A20]  }
0xdf: {  	v4 =	vld [tilespmem:s13+$0x10A30]  }
0xe0: {  	v3 =	vld [tilespmem:s13+$0x10A40]  }
0xe1: {  	v2 =	vld [tilespmem:s13+$0x10A50]  }
0xe2: {  	v1 =	vld [tilespmem:s13+$0x10A60]  }
0xe3: {  	v0 =	vld [tilespmem:s13+$0x10A70]  }
0xe4: {  	v12 =	vld [tilespmem:s13+$0x3A00]  }
0xe5: {  	v13 =	vld [tilespmem:s13+$0x3A10]  }
0xe6: {  	v10 =	vld [tilespmem:s13+$0x3A20]  }
0xe7: {  	v9 =	vld [tilespmem:s13+$0x3A30]  }
0xe8: {  	v8 =	vld [tilespmem:s13+$0x3A40]  }
0xe9: {  	v6 =	vld [tilespmem:s13+$0x3A50];
	v12 =	vadd.f32 v7, v12  }
0xea: {  	s14 =	simm.s32 $0x200;
	v11 =	vadd.f32 v11, v13;
	v7 =	vld [tilespmem:s13+$0x3A60]  }
.LBB2_6:
0xeb: {  	s24 =	sshra.s32 s14, $0x2;
	p0 =	sne.s32 s14, $0xCE00;
	[tilespmem:s13+$0x3A00] =	vst v12;
	v5 =	vadd.f32 v5, v10;
	v10 =	vld [tilespmem:s13+$0x3A70]  }
0xec: {  	v12 =	vld [tilespmem:s24+$0x10A00];
	[tilespmem:s13+$0x3A10] =	vst v11;
	v4 =	vadd.f32 v4, v9  }
0xed: {  	v11 =	vld [tilespmem:s24+$0x10A10];
	[tilespmem:s13+$0x3A20] =	vst v5;
	v3 =	vadd.f32 v3, v8  }
0xee: {  	v5 =	vld [tilespmem:s24+$0x10A20];
	[tilespmem:s13+$0x3A30] =	vst v4;
	v2 =	vadd.f32 v2, v6  }
0xef: {  	v4 =	vld [tilespmem:s24+$0x10A30];
	[tilespmem:s13+$0x3A40] =	vst v3;
	v1 =	vadd.f32 v1, v7  }
0xf0: {  	v3 =	vld [tilespmem:s24+$0x10A40];
	[tilespmem:s13+$0x3A50] =	vst v2;
	v0 =	vadd.f32 v0, v10  }
0xf1: {  	v2 =	vld [tilespmem:s24+$0x10A50];
	[tilespmem:s13+$0x3A60] =	vst v1  }
0xf2: {  	v1 =	vld [tilespmem:s24+$0x10A60];
	[tilespmem:s13+$0x3A70] =	vst v0;
	s13 =	smov.u32 s24  }
0xf3: {  	v0 =	vld [tilespmem:s13+$0x10A70]  }
0xf4: {  	v6 =	vld [tilespmem:s13+$0x3A00]  }
0xf5: {  	v7 =	vld [tilespmem:s13+$0x3A10]  }
.Ltmp2:
0xf6: {  	v10 =	vld [tilespmem:s13+$0x3A20];
	(pc) =	sbr.rel @p0 .LBB2_6-.Ltmp2, $4  }
0xf7: {  	v9 =	vld [tilespmem:s13+$0x3A30]  }
0xf8: {  	v8 =	vld [tilespmem:s13+$0x3A40]  }
0xf9: {  	v12 =	vadd.f32 v12, v6;
	v6 =	vld [tilespmem:s13+$0x3A50]  }
0xfa: {  	s14 =	sadd.s32 $0x200, s14;
	v11 =	vadd.f32 v11, v7;
	v7 =	vld [tilespmem:s13+$0x3A60]  }
0xfb: {  	[tilespmem:s13+$0x3A00] =	vst v12;
	v5 =	vadd.f32 v5, v10;
	v10 =	vld [tilespmem:s13+$0x3A70]  }
0xfc: {  	[tilespmem:s13+$0x3A10] =	vst v11;
	v4 =	vadd.f32 v4, v9  }
0xfd: {  	[tilespmem:s13+$0x3A20] =	vst v5;
	v3 =	vadd.f32 v3, v8  }
0xfe: {  	[tilespmem:s13+$0x3A30] =	vst v4;
	v2 =	vadd.f32 v2, v6  }
0xff: {  	[tilespmem:s13+$0x3A40] =	vst v3;
	v1 =	vadd.f32 v1, v7  }
0x100: {  	[tilespmem:s13+$0x3A50] =	vst v2;
	v0 =	vadd.f32 v0, v10  }
0x101: {  	[tilespmem:s13+$0x3A60] =	vst v1  }
0x102: {  	s24 =	simm.s32 $0x0;
	[tilespmem:s13+$0x3A70] =	vst v0  }
0x103: {  	[tilespmem:s9], [sflag:$0x3] =	stream.linear.gather [hbm4b:s17+s24], $0x80, $0x38;
	[tilespmem:$0x1B700] =	vst v63  }
0x104: {  	_ =	swait.ge [sflag:s21], $0x80  }
0x105: {  	[sflag:s21] =	ssyncset.done $0x0  }
0x106: {  	s13 =	simm.s32 $0x0;
	[sflag:s21] =	ssyncadd.s32 $0xFFFFFF80  }
0x107: {  	[hbm4b:s5+s23] =	stream.indirect.scatter [tilespmem:s29], [sflag:$0x2], $0x80, s9, s23, $0xb8;
	[tilespmem:$0x1B700] =	vst v63  }
0x108: {  	v7 =	vld [tilespmem:s13+$0x13E00]  }
0x109: {  	v11 =	vld [tilespmem:s13+$0x13E10]  }
0x10a: {  	v5 =	vld [tilespmem:s13+$0x13E20]  }
0x10b: {  	v4 =	vld [tilespmem:s13+$0x13E30]  }
0x10c: {  	v3 =	vld [tilespmem:s13+$0x13E40]  }
0x10d: {  	v2 =	vld [tilespmem:s13+$0x13E50]  }
0x10e: {  	v1 =	vld [tilespmem:s13+$0x13E60]  }
0x10f: {  	v0 =	vld [tilespmem:s13+$0x13E70]  }
0x110: {  	v12 =	vld [tilespmem:s13+$0x6E00]  }
0x111: {  	v13 =	vld [tilespmem:s13+$0x6E10]  }
0x112: {  	v10 =	vld [tilespmem:s13+$0x6E20]  }
0x113: {  	v9 =	vld [tilespmem:s13+$0x6E30]  }
0x114: {  	v8 =	vld [tilespmem:s13+$0x6E40]  }
0x115: {  	v6 =	vld [tilespmem:s13+$0x6E50];
	v12 =	vadd.f32 v7, v12  }
0x116: {  	s14 =	simm.s32 $0x200;
	v11 =	vadd.f32 v11, v13;
	v7 =	vld [tilespmem:s13+$0x6E60]  }
.LBB2_8:
0x117: {  	s24 =	sshra.s32 s14, $0x2;
	p0 =	sne.s32 s14, $0xCE00;
	[tilespmem:s13+$0x6E00] =	vst v12;
	v5 =	vadd.f32 v5, v10;
	v10 =	vld [tilespmem:s13+$0x6E70]  }
0x118: {  	v12 =	vld [tilespmem:s24+$0x13E00];
	[tilespmem:s13+$0x6E10] =	vst v11;
	v4 =	vadd.f32 v4, v9  }
0x119: {  	v11 =	vld [tilespmem:s24+$0x13E10];
	[tilespmem:s13+$0x6E20] =	vst v5;
	v3 =	vadd.f32 v3, v8  }
0x11a: {  	v5 =	vld [tilespmem:s24+$0x13E20];
	[tilespmem:s13+$0x6E30] =	vst v4;
	v2 =	vadd.f32 v2, v6  }
0x11b: {  	v4 =	vld [tilespmem:s24+$0x13E30];
	[tilespmem:s13+$0x6E40] =	vst v3;
	v1 =	vadd.f32 v1, v7  }
0x11c: {  	v3 =	vld [tilespmem:s24+$0x13E40];
	[tilespmem:s13+$0x6E50] =	vst v2;
	v0 =	vadd.f32 v0, v10  }
0x11d: {  	v2 =	vld [tilespmem:s24+$0x13E50];
	[tilespmem:s13+$0x6E60] =	vst v1  }
0x11e: {  	v1 =	vld [tilespmem:s24+$0x13E60];
	[tilespmem:s13+$0x6E70] =	vst v0;
	s13 =	smov.u32 s24  }
0x11f: {  	v0 =	vld [tilespmem:s13+$0x13E70]  }
0x120: {  	v6 =	vld [tilespmem:s13+$0x6E00]  }
0x121: {  	v7 =	vld [tilespmem:s13+$0x6E10]  }
.Ltmp3:
0x122: {  	v10 =	vld [tilespmem:s13+$0x6E20];
	(pc) =	sbr.rel @p0 .LBB2_8-.Ltmp3, $4  }
0x123: {  	v9 =	vld [tilespmem:s13+$0x6E30]  }
0x124: {  	v8 =	vld [tilespmem:s13+$0x6E40]  }
0x125: {  	v12 =	vadd.f32 v12, v6;
	v6 =	vld [tilespmem:s13+$0x6E50]  }
0x126: {  	s14 =	sadd.s32 $0x200, s14;
	v11 =	vadd.f32 v11, v7;
	v7 =	vld [tilespmem:s13+$0x6E60]  }
0x127: {  	[tilespmem:s13+$0x6E00] =	vst v12;
	v5 =	vadd.f32 v5, v10;
	v10 =	vld [tilespmem:s13+$0x6E70]  }
0x128: {  	[tilespmem:s13+$0x6E10] =	vst v11;
	v4 =	vadd.f32 v4, v9  }
0x129: {  	[tilespmem:s13+$0x6E20] =	vst v5;
	v3 =	vadd.f32 v3, v8  }
0x12a: {  	[tilespmem:s13+$0x6E30] =	vst v4;
	v2 =	vadd.f32 v2, v6  }
0x12b: {  	[tilespmem:s13+$0x6E40] =	vst v3;
	v1 =	vadd.f32 v1, v7  }
0x12c: {  	[tilespmem:s13+$0x6E50] =	vst v2;
	v0 =	vadd.f32 v0, v10  }
0x12d: {  	[tilespmem:s13+$0x6E60] =	vst v1  }
0x12e: {  	s24 =	simm.s32 $0x0;
	[tilespmem:s13+$0x6E70] =	vst v0  }
0x12f: {  	[tilespmem:s10], [sflag:$0x3] =	stream.linear.gather [hbm4b:s18+s24], $0x80, $0x38;
	[tilespmem:$0x1B700] =	vst v63  }
0x130: {  	_ =	swait.ge [sflag:s21], $0x80  }
0x131: {  	[sflag:s21] =	ssyncset.done $0x0  }
0x132: {  	s13 =	simm.s32 $0x0;
	[sflag:s21] =	ssyncadd.s32 $0xFFFFFF80  }
0x133: {  	[hbm4b:s5+s23] =	stream.indirect.scatter [tilespmem:s4], [sflag:$0x2], $0x80, s10, s23, $0xb8;
	[tilespmem:$0x1B700] =	vst v63  }
0x134: {  	v7 =	vld [tilespmem:s13+$0x17200]  }
0x135: {  	v11 =	vld [tilespmem:s13+$0x17210]  }
0x136: {  	v5 =	vld [tilespmem:s13+$0x17220]  }
0x137: {  	v4 =	vld [tilespmem:s13+$0x17230]  }
0x138: {  	v3 =	vld [tilespmem:s13+$0x17240]  }
0x139: {  	v2 =	vld [tilespmem:s13+$0x17250]  }
0x13a: {  	v1 =	vld [tilespmem:s13+$0x17260]  }
0x13b: {  	v0 =	vld [tilespmem:s13+$0x17270]  }
0x13c: {  	v12 =	vld [tilespmem:s13+$0xA200]  }
0x13d: {  	v13 =	vld [tilespmem:s13+$0xA210]  }
0x13e: {  	v10 =	vld [tilespmem:s13+$0xA220]  }
0x13f: {  	v9 =	vld [tilespmem:s13+$0xA230]  }
0x140: {  	v8 =	vld [tilespmem:s13+$0xA240]  }
0x141: {  	v6 =	vld [tilespmem:s13+$0xA250];
	v12 =	vadd.f32 v7, v12  }
0x142: {  	s14 =	simm.s32 $0x200;
	v11 =	vadd.f32 v11, v13;
	v7 =	vld [tilespmem:s13+$0xA260]  }
.LBB2_10:
0x143: {  	s24 =	sshra.s32 s14, $0x2;
	p0 =	sne.s32 s14, $0xCE00;
	[tilespmem:s13+$0xA200] =	vst v12;
	v5 =	vadd.f32 v5, v10;
	v10 =	vld [tilespmem:s13+$0xA270]  }
0x144: {  	v12 =	vld [tilespmem:s24+$0x17200];
	[tilespmem:s13+$0xA210] =	vst v11;
	v4 =	vadd.f32 v4, v9  }
0x145: {  	v11 =	vld [tilespmem:s24+$0x17210];
	[tilespmem:s13+$0xA220] =	vst v5;
	v3 =	vadd.f32 v3, v8  }
0x146: {  	v5 =	vld [tilespmem:s24+$0x17220];
	[tilespmem:s13+$0xA230] =	vst v4;
	v2 =	vadd.f32 v2, v6  }
0x147: {  	v4 =	vld [tilespmem:s24+$0x17230];
	[tilespmem:s13+$0xA240] =	vst v3;
	v1 =	vadd.f32 v1, v7  }
0x148: {  	v3 =	vld [tilespmem:s24+$0x17240];
	[tilespmem:s13+$0xA250] =	vst v2;
	v0 =	vadd.f32 v0, v10  }
0x149: {  	v2 =	vld [tilespmem:s24+$0x17250];
	[tilespmem:s13+$0xA260] =	vst v1  }
0x14a: {  	v1 =	vld [tilespmem:s24+$0x17260];
	[tilespmem:s13+$0xA270] =	vst v0;
	s13 =	smov.u32 s24  }
0x14b: {  	v0 =	vld [tilespmem:s13+$0x17270]  }
0x14c: {  	v6 =	vld [tilespmem:s13+$0xA200]  }
0x14d: {  	v7 =	vld [tilespmem:s13+$0xA210]  }
.Ltmp4:
0x14e: {  	v10 =	vld [tilespmem:s13+$0xA220];
	(pc) =	sbr.rel @p0 .LBB2_10-.Ltmp4, $4  }
0x14f: {  	v9 =	vld [tilespmem:s13+$0xA230]  }
0x150: {  	v8 =	vld [tilespmem:s13+$0xA240]  }
0x151: {  	v12 =	vadd.f32 v12, v6;
	v6 =	vld [tilespmem:s13+$0xA250]  }
0x152: {  	s14 =	sadd.s32 $0x200, s14;
	v11 =	vadd.f32 v11, v7;
	v7 =	vld [tilespmem:s13+$0xA260]  }
0x153: {  	[tilespmem:s13+$0xA200] =	vst v12;
	v5 =	vadd.f32 v5, v10;
	v63 =	vld [tilespmem:s13+$0xA270]  }
0x154: {  	[tilespmem:s13+$0xA210] =	vst v11;
	v4 =	vadd.f32 v4, v9  }
0x155: {  	[tilespmem:s13+$0xA220] =	vst v5;
	v3 =	vadd.f32 v3, v8  }
0x156: {  	[tilespmem:s13+$0xA230] =	vst v4;
	v2 =	vadd.f32 v2, v6  }
0x157: {  	[tilespmem:s13+$0xA240] =	vst v3;
	v1 =	vadd.f32 v1, v7  }
0x158: {  	[tilespmem:s13+$0xA250] =	vst v2;
	v0 =	vadd.f32 v0, v63  }
0x159: {  	[tilespmem:s13+$0xA260] =	vst v1  }
0x15a: {  	[tilespmem:s13+$0xA270] =	vst v0  }
0x15b: {  	[tilespmem:s11], [sflag:$0x3] =	stream.linear.gather [hbm4b:s19+s6], $0x80, $0x38;
	[tilespmem:$0x1B700] =	vst v63  }
0x15c: {  	_ =	swait.ge [sflag:s21], $0x80  }
0x15d: {  	[sflag:s21] =	ssyncset.done $0x0  }
0x15e: {  	[sflag:s21] =	ssyncadd.s32 $0xFFFFFF80  }
0x15f: {  	[hbm4b:s5+s23] =	stream.indirect.scatter [tilespmem:s3], [sflag:$0x2], $0x80, s11, s23, $0xb8;
	[tilespmem:$0x1B700] =	vst v63  }
0x160: {  	_ =	swait.ge [sflag:s12], $0x1000  }
0x161: {  	[sflag:s12] =	ssyncset.done $0x0  }
0x162: {  	[sflag:s12] =	ssyncadd.s32 $0xFFFFF000  }
0x163: {  	_ =	swait.ge [sflag:s12], $0x3400  }
0x164: {  	[sflag:s12] =	ssyncset.done $0x0  }
0x165: {  	[sflag:s12] =	ssyncadd.s32 $0xFFFFCC00  }
0x166: {  	_ =	swait.ge [sflag:s12], $0x3400  }
0x167: {  	[sflag:s12] =	ssyncset.done $0x0  }
0x168: {  	s22 =	sadd.s32 $0x1, s22;
	[sflag:s12] =	ssyncadd.s32 $0xFFFFCC00  }
0x169: {  	p0 =	sne.s32 s22, s20;
	_ =	swait.ge [sflag:s12], $0x3400  }
.Ltmp5:
0x16a: {  	[sflag:s12] =	ssyncset.done $0x0;
	(pc) =	sbr.rel @p0 .LBB2_1-.Ltmp5, $4  }
0x16b: {  	[sflag:s12] =	ssyncadd.s32 $0xFFFFCC00  }
0x16c: {  	_ =	swait.ge [sflag:s12], $0x3400  }
0x16d: {  	[sflag:s12] =	ssyncset.done $0x0  }
0x16e: {  	[sflag:s12] =	ssyncadd.s32 $0xFFFFCC00  }
0x16f: {  	_ =	sfence.sel $0x180000  }
0x170: {  	[bflag:$0x0] =	sbarrier.arrive $0xFFFF  }
0x171: {  	_ =	strace $0x90000047  }
0x172: {  	s0 =	stileid.u32;
	[bflag:$0x2] =	sbarrier.arrive $0xFFFF  }
0x173: {  	p0 =	sne.s32 s0, $0x0;
	s0 =	rddreg [dreg:$0x7]  }
0x174: {  	s0 =	sadd.s32 @!p0 $0x100000, s0  }
0x175: {  	[sflag:s0] =	ssyncadd.tile.s32 @!p0 $0x1;
	_ =	shalt  }
.Lfunc_end2:
_tile_overlayer_lowered:
.L_overlay_start_2:
0x176: {  	(tag) =	ssettag $0x2  }
0x177: {  	s0 =	rddreg [dreg:$0x0];
	s2 =	stileid.u32  }
0x178: {  	s1 =	rddreg [dreg:$0x1];
	p0 =	sne.s32 s2, $0x0  }
0x179: {  	s3 =	rddreg [dreg:$0x2];
	[bflag:$0x3] =	sbarrier.arrive $0xFFFF;
	s2 =	simm.s32 @!p0 $0x1C03  }
0x17a: {  	[timem:s3], [sflag:s2] =	dma.local @!p0 [hbm:s0], s1  }
0x17b: {  	s0 =	simm.s32 @!p0 $0x3  }
0x17c: {  	_ =	swait.ge @!p0 [sflag:s0], s1  }
0x17d: {  	s1 =	ssub.s32 @!p0 $0x0, s1;
	[sflag:s0] =	ssyncset.done @!p0 $0x0  }
0x17e: {  	[sflag:s0] =	ssyncadd.s32 @!p0 s1  }
0x17f: {  	[bflag:$0x3] =	sbarrier.arrive $0xFFFF  }
0x180: {  	_ =	shalt  }

</sc_bundles>
